<compile_context>
chip_gen: v7x
topology: tpu7x:2x2x1
jax: 0.10.2.dev20260603
libtpu: 0.0.44.dev20260713+nightly
codegen_flags: <defaults>
</compile_context>

<pallas_src>
import jax
import jax.numpy as jnp
from jax import lax
from jax.experimental import pallas as pl
from jax.experimental.pallas import tpu as pltpu
from jax.experimental.pallas import tpu_sc as plsc

BATCH = 4096
HIST = 200
NDIM = 16
LANES = 16
NWORKERS = 32
ROWS_PER_W = BATCH // NWORKERS
BLK_ROWS = 4
NBUF = 2
NBLK = ROWS_PER_W // BLK_ROWS

_NCHUNKS = HIST // LANES + 1


def _start_block(i, ids_hbm, disc_hbm, diff_hbm, ids_v, rows_v, diff_v,
                 wrow0, p, sem_rows, sem_diff):
    row0 = wrow0 + i * BLK_ROWS
    pltpu.sync_copy(ids_hbm.at[pl.ds(row0, BLK_ROWS)], ids_v.at[p])
    for r in range(BLK_ROWS):
        pltpu.make_async_copy(disc_hbm.at[ids_v.at[p, r]], rows_v.at[p, r],
                              sem_rows.at[p]).start()
        pltpu.make_async_copy(diff_hbm.at[ids_v.at[p, r]], diff_v.at[p, r],
                              sem_diff.at[p]).start()


def _wait_block(ids_hbm, disc_hbm, diff_hbm, ids_v, rows_v, diff_v,
                p, sem_rows, sem_diff):
    for r in range(BLK_ROWS):
        pltpu.make_async_copy(disc_hbm.at[ids_v.at[p, r]], rows_v.at[p, r],
                              sem_rows.at[p]).wait()
        pltpu.make_async_copy(diff_hbm.at[ids_v.at[p, r]], diff_v.at[p, r],
                              sem_diff.at[p]).wait()


def _mirt_body(abil_hbm, ids_hbm, disc_hbm, diff_hbm, out_hbm,
               ids_v, rows_v, diff_v, out_v, abil_v,
               sem_rows, sem_diff):
    nc = lax.axis_size("c")
    wid = lax.axis_index("s") * nc + lax.axis_index("c")
    wrow0 = wid * ROWS_PER_W

    pltpu.sync_copy(abil_hbm.at[pl.ds(wrow0, ROWS_PER_W)], abil_v)

    for b in range(NBUF - 1):
        _start_block(b, ids_hbm, disc_hbm, diff_hbm, ids_v, rows_v, diff_v,
                     wrow0, b, sem_rows, sem_diff)

    def block_body(i, carry):
        p = lax.rem(i, NBUF)
        _wait_block(ids_hbm, disc_hbm, diff_hbm, ids_v, rows_v, diff_v,
                    p, sem_rows, sem_diff)

        @pl.when(i + NBUF - 1 < NBLK)
        def _():
            _start_block(i + NBUF - 1, ids_hbm, disc_hbm, diff_hbm,
                         ids_v, rows_v, diff_v, wrow0,
                         lax.rem(i + NBUF - 1, NBUF),
                         sem_rows, sem_diff)

        lane = lax.iota(jnp.int32, LANES)

        def row_body(r, carry2):
            abil = abil_v[i * BLK_ROWS + r]

            def chunk_body(c, carry3):
                off = jnp.minimum(c * LANES, HIST - LANES)
                acc = jnp.zeros((LANES,), jnp.float32)
                for j in range(LANES):
                    w = rows_v[p, r, off + j]
                    s = plsc.cumsum(jnp.abs(w) * abil)[LANES - 1]
                    acc = jnp.where(lane == j, s, acc)
                x = acc - diff_v[p, r, pl.ds(off, LANES)]
                out_v[p, r, pl.ds(off, LANES)] = 1.0 / (1.0 + jnp.exp(-x))
                return carry3

            return lax.fori_loop(0, _NCHUNKS, chunk_body, carry2)

        lax.fori_loop(0, BLK_ROWS, row_body, 0)

        row0 = wrow0 + i * BLK_ROWS
        pltpu.sync_copy(out_v.at[p], out_hbm.at[pl.ds(row0, BLK_ROWS)])
        return carry

    lax.fori_loop(0, NBLK, block_body, 0)


def kernel(abilities, item_ids, disc_w, diff_w):
    ids32 = item_ids.astype(jnp.int32)
    diff_flat = diff_w.reshape(-1)

    mesh = plsc.VectorSubcoreMesh(core_axis_name="c", subcore_axis_name="s")

    run = pl.kernel(
        _mirt_body,
        out_type=jax.ShapeDtypeStruct((BATCH, HIST), jnp.float32),
        mesh=mesh,
        scratch_types=[
            pltpu.VMEM((NBUF, BLK_ROWS, HIST), jnp.int32),
            pltpu.VMEM((NBUF, BLK_ROWS, HIST, NDIM), jnp.float32),
            pltpu.VMEM((NBUF, BLK_ROWS, HIST), jnp.float32),
            pltpu.VMEM((NBUF, BLK_ROWS, HIST), jnp.float32),
            pltpu.VMEM((ROWS_PER_W, NDIM), jnp.float32),
            pltpu.SemaphoreType.DMA((NBUF,)),
            pltpu.SemaphoreType.DMA((NBUF,)),
        ],
        compiler_params=pltpu.CompilerParams(needs_layout_passes=False,
                                             use_tc_tiling_on_sc=False),
        name="neural_mirt_sc",
    )
    return run(abilities, ids32, disc_w, diff_flat)

# --- scband reference (transcript-rebuilt; emitter-appended) ---
"""Pipeline reference for scband-neural-mirt-35622458753321 (READ-ONLY COPY).

The authoritative reference and input builder live on the scoring server;
editing this copy changes nothing except your own understanding.
"""

import jax, jax.numpy as jnp
import numpy as np

N_ITEMS = 1000000
N_DIMS = 16
BATCH = 4096
HIST = 200

def setup_inputs(seed: int = 0) -> dict:
    key = jax.random.key(seed)
    k1, k2, k3, k4 = jax.random.split(key, 4)
    abilities = jax.random.normal(k1, (BATCH, N_DIMS), dtype=jnp.float32)
    item_ids = jax.random.randint(k2, (BATCH, HIST), 0, N_ITEMS, dtype=jnp.int64)
    # learned parameters, matching torch init
    disc_w = 1.0 + 0.1 * jax.random.normal(k3, (N_ITEMS, N_DIMS), dtype=jnp.float32)
    diff_w = 0.5 * jax.random.normal(k4, (N_ITEMS, 1), dtype=jnp.float32)
    return {"abilities": abilities, "item_ids": item_ids, "disc_w": disc_w, "diff_w": diff_w}

def reference(abilities, item_ids, disc_w, diff_w):
    # embedding lookups (gather)
    a = jnp.abs(jnp.take(disc_w, item_ids, axis=0))          # [B, L, D]
    b = jnp.take(diff_w, item_ids, axis=0).squeeze(-1)       # [B, L]
    logits = jnp.sum(a * abilities[:, None, :], axis=2) - b  # [B, L]
    probs = jax.nn.sigmoid(logits)
    return probs

if __name__ == "__main__":
    import jax
    _d = setup_inputs()
    print(jax.jit(kernel)(*tuple(_d.values())))

</pallas_src>

<mosaic_0001>
#map = affine_map<(d0, d1) -> (0, 0)>
#map1 = affine_map<(d0, d1) -> (0)>
module attributes {stable_mosaic.version = 14 : i64} {
  func.func @neural_mirt_sc(%arg0: i32, %arg1: i32, %arg2: memref<4096x16xf32, #tpu.memory_space<hbm>>, %arg3: memref<4096x200xi32, #tpu.memory_space<hbm>>, %arg4: memref<1000000x16xf32, #tpu.memory_space<hbm>>, %arg5: memref<1000000xf32, #tpu.memory_space<hbm>>, %arg6: memref<4096x200xf32, #tpu.memory_space<hbm>>, %arg7: memref<2x4x200xi32, #tpu.memory_space<vmem>>, %arg8: memref<2x4x200x16xf32, #tpu.memory_space<vmem>>, %arg9: memref<2x4x200xf32, #tpu.memory_space<vmem>>, %arg10: memref<2x4x200xf32, #tpu.memory_space<vmem>>, %arg11: memref<128x16xf32, #tpu.memory_space<vmem>>, %arg12: memref<2x!tpu.dma_semaphore, #tpu.memory_space<semaphore_mem>>, %arg13: memref<2x!tpu.dma_semaphore, #tpu.memory_space<semaphore_mem>>) attributes {dimension_semantics = [#tpu.dimension_semantics<core_parallel>, #tpu.dimension_semantics<subcore_parallel>], iteration_bounds = array<i64: 2, 16>, scalar_prefetch = 0 : i64, scratch_operands = 7 : i64, tpu.core_type = #tpu.core_type<sc_vector_subcore>, window_params = [{transform_indices = #map}, {transform_indices = #map}, {transform_indices = #map}, {transform_indices = #map1}, {transform_indices = #map}]} {
    %mul3A = arith.constant 2 : i32
    %mul3A_0 = arith.muli %arg1, %mul3A : i32
    %add3A = arith.addi %mul3A_0, %arg0 : i32
    %mul3A_1 = arith.constant 128 : i32
    %mul3A_2 = arith.muli %add3A, %mul3A_1 : i32
    "tpu.region"() ({
      %run_scoped3A_137 = tpu.sem_alloc : memref<!tpu.dma_semaphore, #tpu.memory_space<semaphore_mem>>
      %dma_start3A_138 = arith.constant 0 : i32
      %dma_start3A_139 = tpu.memref_slice %arg2[%mul3A_2, %dma_start3A_138] : memref<4096x16xf32, #tpu.memory_space<hbm>> -> memref<128x16xf32, #tpu.memory_space<hbm>>
      %dma_start3A_140 = arith.constant 0 : i32
      %dma_start3A_141 = tpu.memref_slice %arg2[%mul3A_2, %dma_start3A_140] : memref<4096x16xf32, #tpu.memory_space<hbm>> -> memref<128x16xf32, #tpu.memory_space<hbm>>
      tpu.enqueue_dma source(%dma_start3A_141 : memref<128x16xf32, #tpu.memory_space<hbm>>) target(%arg11 : memref<128x16xf32, #tpu.memory_space<vmem>>) target_semaphore(%run_scoped3A_137 : memref<!tpu.dma_semaphore, #tpu.memory_space<semaphore_mem>>)
      %dma_wait3A = arith.constant 0 : i32
      %dma_wait3A_142 = tpu.memref_slice %arg2[%mul3A_2, %dma_wait3A] : memref<4096x16xf32, #tpu.memory_space<hbm>> -> memref<128x16xf32, #tpu.memory_space<hbm>>
      %dma_wait3A_143 = arith.constant 0 : i32
      %dma_wait3A_144 = tpu.memref_slice %arg2[%mul3A_2, %dma_wait3A_143] : memref<4096x16xf32, #tpu.memory_space<hbm>> -> memref<128x16xf32, #tpu.memory_space<hbm>>
      tpu.wait_dma2 semaphore(%run_scoped3A_137 : memref<!tpu.dma_semaphore, #tpu.memory_space<semaphore_mem>>) src(%dma_wait3A_144 : memref<128x16xf32, #tpu.memory_space<hbm>>) dst(%arg11 : memref<128x16xf32, #tpu.memory_space<vmem>>)
      tpu.yield
    }) : () -> ()
    %add3A_3 = arith.constant 0 : i32
    %add3A_4 = arith.addi %mul3A_2, %add3A_3 : i32
    %run_scoped3A = arith.constant 0 : i32
    "tpu.region"() ({
      %run_scoped3A_137 = tpu.sem_alloc : memref<!tpu.dma_semaphore, #tpu.memory_space<semaphore_mem>>
      %dma_start3A_138 = arith.constant 0 : i32
      %dma_start3A_139 = arith.constant 0 : i32
      %dma_start3A_140 = tpu.memref_slice %arg7[%run_scoped3A, %dma_start3A_138, %dma_start3A_139] : memref<2x4x200xi32, #tpu.memory_space<vmem>> -> memref<1x4x200xi32, #tpu.memory_space<vmem>>
      %dma_start3A_141 = tpu.memref_squeeze %dma_start3A_140 : memref<1x4x200xi32, #tpu.memory_space<vmem>> -> memref<4x200xi32, #tpu.memory_space<vmem>>
      %dma_start3A_142 = arith.constant 0 : i32
      %dma_start3A_143 = tpu.memref_slice %arg3[%add3A_4, %dma_start3A_142] : memref<4096x200xi32, #tpu.memory_space<hbm>> -> memref<4x200xi32, #tpu.memory_space<hbm>>
      %dma_start3A_144 = arith.constant 0 : i32
      %dma_start3A_145 = arith.constant 0 : i32
      %dma_start3A_146 = tpu.memref_slice %arg7[%run_scoped3A, %dma_start3A_144, %dma_start3A_145] : memref<2x4x200xi32, #tpu.memory_space<vmem>> -> memref<1x4x200xi32, #tpu.memory_space<vmem>>
      %dma_start3A_147 = tpu.memref_squeeze %dma_start3A_146 : memref<1x4x200xi32, #tpu.memory_space<vmem>> -> memref<4x200xi32, #tpu.memory_space<vmem>>
      %dma_start3A_148 = arith.constant 0 : i32
      %dma_start3A_149 = tpu.memref_slice %arg3[%add3A_4, %dma_start3A_148] : memref<4096x200xi32, #tpu.memory_space<hbm>> -> memref<4x200xi32, #tpu.memory_space<hbm>>
      tpu.enqueue_dma source(%dma_start3A_149 : memref<4x200xi32, #tpu.memory_space<hbm>>) target(%dma_start3A_147 : memref<4x200xi32, #tpu.memory_space<vmem>>) target_semaphore(%run_scoped3A_137 : memref<!tpu.dma_semaphore, #tpu.memory_space<semaphore_mem>>)
      %dma_wait3A = arith.constant 0 : i32
      %dma_wait3A_150 = arith.constant 0 : i32
      %dma_wait3A_151 = tpu.memref_slice %arg7[%run_scoped3A, %dma_wait3A, %dma_wait3A_150] : memref<2x4x200xi32, #tpu.memory_space<vmem>> -> memref<1x4x200xi32, #tpu.memory_space<vmem>>
      %dma_wait3A_152 = tpu.memref_squeeze %dma_wait3A_151 : memref<1x4x200xi32, #tpu.memory_space<vmem>> -> memref<4x200xi32, #tpu.memory_space<vmem>>
      %dma_wait3A_153 = arith.constant 0 : i32
      %dma_wait3A_154 = tpu.memref_slice %arg3[%add3A_4, %dma_wait3A_153] : memref<4096x200xi32, #tpu.memory_space<hbm>> -> memref<4x200xi32, #tpu.memory_space<hbm>>
      %dma_wait3A_155 = arith.constant 0 : i32
      %dma_wait3A_156 = arith.constant 0 : i32
      %dma_wait3A_157 = tpu.memref_slice %arg7[%run_scoped3A, %dma_wait3A_155, %dma_wait3A_156] : memref<2x4x200xi32, #tpu.memory_space<vmem>> -> memref<1x4x200xi32, #tpu.memory_space<vmem>>
      %dma_wait3A_158 = tpu.memref_squeeze %dma_wait3A_157 : memref<1x4x200xi32, #tpu.memory_space<vmem>> -> memref<4x200xi32, #tpu.memory_space<vmem>>
      %dma_wait3A_159 = arith.constant 0 : i32
      %dma_wait3A_160 = tpu.memref_slice %arg3[%add3A_4, %dma_wait3A_159] : memref<4096x200xi32, #tpu.memory_space<hbm>> -> memref<4x200xi32, #tpu.memory_space<hbm>>
      tpu.wait_dma2 semaphore(%run_scoped3A_137 : memref<!tpu.dma_semaphore, #tpu.memory_space<semaphore_mem>>) src(%dma_wait3A_160 : memref<4x200xi32, #tpu.memory_space<hbm>>) dst(%dma_wait3A_158 : memref<4x200xi32, #tpu.memory_space<vmem>>)
      tpu.yield
    }) : () -> ()
    %dma_start3A = arith.constant 0 : i32
    %dma_start3A_5 = arith.constant 0 : i32
    %dma_start3A_6 = arith.constant 0 : i32
    %dma_start3A_7 = arith.constant 0 : i32
    %dma_start3A_8 = arith.constant 0 : i32
    %dma_start3A_9 = arith.constant 0 : i32
    %dma_start3A_10 = arith.constant 0 : i32
    %dma_start3A_11 = tpu.memref_slice %arg8[%dma_start3A_6, %dma_start3A_7, %dma_start3A_9, %dma_start3A_10] : memref<2x4x200x16xf32, #tpu.memory_space<vmem>> -> memref<1x1x200x16xf32, #tpu.memory_space<vmem>>
    %dma_start3A_12 = tpu.memref_squeeze %dma_start3A_11 : memref<1x1x200x16xf32, #tpu.memory_space<vmem>> -> memref<200x16xf32, #tpu.memory_space<vmem>>
    %dma_start3A_13 = arith.constant 0 : i32
    %dma_start3A_14 = tpu.memref_slice %arg7[%dma_start3A, %dma_start3A_5, %dma_start3A_13] : memref<2x4x200xi32, #tpu.memory_space<vmem>> -> memref<1x1x200xi32, #tpu.memory_space<vmem>>
    %dma_start3A_15 = tpu.memref_squeeze %dma_start3A_14 : memref<1x1x200xi32, #tpu.memory_space<vmem>> -> memref<200xi32, #tpu.memory_space<vmem>>
    %dma_start3A_16 = arith.constant 0 : i32
    %dma_start3A_17 = arith.constant 0 : i32
    %dma_start3A_18 = tpu.memref_slice %arg4[%dma_start3A_16, %dma_start3A_17] : memref<1000000x16xf32, #tpu.memory_space<hbm>> -> memref<1000000x16xf32, #tpu.memory_space<hbm>>
    %dma_start3A_19 = tpu.memref_slice %arg12[%dma_start3A_8] : memref<2x!tpu.dma_semaphore, #tpu.memory_space<semaphore_mem>> -> memref<1x!tpu.dma_semaphore, #tpu.memory_space<semaphore_mem>>
    %dma_start3A_20 = tpu.memref_squeeze %dma_start3A_19 : memref<1x!tpu.dma_semaphore, #tpu.memory_space<semaphore_mem>> -> memref<!tpu.dma_semaphore, #tpu.memory_space<semaphore_mem>>
    tpu.enqueue_indirect_dma source(%dma_start3A_18 : memref<1000000x16xf32, #tpu.memory_space<hbm>>) target(%dma_start3A_12 : memref<200x16xf32, #tpu.memory_space<vmem>>) offsets(%dma_start3A_15 : memref<200xi32, #tpu.memory_space<vmem>>) semaphore(%dma_start3A_20 : memref<!tpu.dma_semaphore, #tpu.memory_space<semaphore_mem>>)
    %dma_start3A_21 = arith.constant 0 : i32
    %dma_start3A_22 = arith.constant 0 : i32
    %dma_start3A_23 = arith.constant 0 : i32
    %dma_start3A_24 = arith.constant 0 : i32
    %dma_start3A_25 = arith.constant 0 : i32
    %dma_start3A_26 = arith.constant 0 : i32
    %dma_start3A_27 = tpu.memref_slice %arg9[%dma_start3A_23, %dma_start3A_24, %dma_start3A_26] : memref<2x4x200xf32, #tpu.memory_space<vmem>> -> memref<1x1x200xf32, #tpu.memory_space<vmem>>
    %dma_start3A_28 = tpu.memref_squeeze %dma_start3A_27 : memref<1x1x200xf32, #tpu.memory_space<vmem>> -> memref<200xf32, #tpu.memory_space<vmem>>
    %dma_start3A_29 = arith.constant 0 : i32
    %dma_start3A_30 = tpu.memref_slice %arg7[%dma_start3A_21, %dma_start3A_22, %dma_start3A_29] : memref<2x4x200xi32, #tpu.memory_space<vmem>> -> memref<1x1x200xi32, #tpu.memory_space<vmem>>
    %dma_start3A_31 = tpu.memref_squeeze %dma_start3A_30 : memref<1x1x200xi32, #tpu.memory_space<vmem>> -> memref<200xi32, #tpu.memory_space<vmem>>
    %dma_start3A_32 = arith.constant 0 : i32
    %dma_start3A_33 = tpu.memref_slice %arg5[%dma_start3A_32] : memref<1000000xf32, #tpu.memory_space<hbm>> -> memref<1000000xf32, #tpu.memory_space<hbm>>
    %dma_start3A_34 = tpu.memref_slice %arg13[%dma_start3A_25] : memref<2x!tpu.dma_semaphore, #tpu.memory_space<semaphore_mem>> -> memref<1x!tpu.dma_semaphore, #tpu.memory_space<semaphore_mem>>
    %dma_start3A_35 = tpu.memref_squeeze %dma_start3A_34 : memref<1x!tpu.dma_semaphore, #tpu.memory_space<semaphore_mem>> -> memref<!tpu.dma_semaphore, #tpu.memory_space<semaphore_mem>>
    tpu.enqueue_indirect_dma source(%dma_start3A_33 : memref<1000000xf32, #tpu.memory_space<hbm>>) target(%dma_start3A_28 : memref<200xf32, #tpu.memory_space<vmem>>) offsets(%dma_start3A_31 : memref<200xi32, #tpu.memory_space<vmem>>) semaphore(%dma_start3A_35 : memref<!tpu.dma_semaphore, #tpu.memory_space<semaphore_mem>>)
    %dma_start3A_36 = arith.constant 0 : i32
    %dma_start3A_37 = arith.constant 1 : i32
    %dma_start3A_38 = arith.constant 0 : i32
    %dma_start3A_39 = arith.constant 1 : i32
    %dma_start3A_40 = arith.constant 0 : i32
    %dma_start3A_41 = arith.constant 0 : i32
    %dma_start3A_42 = arith.constant 0 : i32
    %dma_start3A_43 = tpu.memref_slice %arg8[%dma_start3A_38, %dma_start3A_39, %dma_start3A_41, %dma_start3A_42] : memref<2x4x200x16xf32, #tpu.memory_space<vmem>> -> memref<1x1x200x16xf32, #tpu.memory_space<vmem>>
    %dma_start3A_44 = tpu.memref_squeeze %dma_start3A_43 : memref<1x1x200x16xf32, #tpu.memory_space<vmem>> -> memref<200x16xf32, #tpu.memory_space<vmem>>
    %dma_start3A_45 = arith.constant 0 : i32
    %dma_start3A_46 = tpu.memref_slice %arg7[%dma_start3A_36, %dma_start3A_37, %dma_start3A_45] : memref<2x4x200xi32, #tpu.memory_space<vmem>> -> memref<1x1x200xi32, #tpu.memory_space<vmem>>
    %dma_start3A_47 = tpu.memref_squeeze %dma_start3A_46 : memref<1x1x200xi32, #tpu.memory_space<vmem>> -> memref<200xi32, #tpu.memory_space<vmem>>
    %dma_start3A_48 = arith.constant 0 : i32
    %dma_start3A_49 = arith.constant 0 : i32
    %dma_start3A_50 = tpu.memref_slice %arg4[%dma_start3A_48, %dma_start3A_49] : memref<1000000x16xf32, #tpu.memory_space<hbm>> -> memref<1000000x16xf32, #tpu.memory_space<hbm>>
    %dma_start3A_51 = tpu.memref_slice %arg12[%dma_start3A_40] : memref<2x!tpu.dma_semaphore, #tpu.memory_space<semaphore_mem>> -> memref<1x!tpu.dma_semaphore, #tpu.memory_space<semaphore_mem>>
    %dma_start3A_52 = tpu.memref_squeeze %dma_start3A_51 : memref<1x!tpu.dma_semaphore, #tpu.memory_space<semaphore_mem>> -> memref<!tpu.dma_semaphore, #tpu.memory_space<semaphore_mem>>
    tpu.enqueue_indirect_dma source(%dma_start3A_50 : memref<1000000x16xf32, #tpu.memory_space<hbm>>) target(%dma_start3A_44 : memref<200x16xf32, #tpu.memory_space<vmem>>) offsets(%dma_start3A_47 : memref<200xi32, #tpu.memory_space<vmem>>) semaphore(%dma_start3A_52 : memref<!tpu.dma_semaphore, #tpu.memory_space<semaphore_mem>>)
    %dma_start3A_53 = arith.constant 0 : i32
    %dma_start3A_54 = arith.constant 1 : i32
    %dma_start3A_55 = arith.constant 0 : i32
    %dma_start3A_56 = arith.constant 1 : i32
    %dma_start3A_57 = arith.constant 0 : i32
    %dma_start3A_58 = arith.constant 0 : i32
    %dma_start3A_59 = tpu.memref_slice %arg9[%dma_start3A_55, %dma_start3A_56, %dma_start3A_58] : memref<2x4x200xf32, #tpu.memory_space<vmem>> -> memref<1x1x200xf32, #tpu.memory_space<vmem>>
    %dma_start3A_60 = tpu.memref_squeeze %dma_start3A_59 : memref<1x1x200xf32, #tpu.memory_space<vmem>> -> memref<200xf32, #tpu.memory_space<vmem>>
    %dma_start3A_61 = arith.constant 0 : i32
    %dma_start3A_62 = tpu.memref_slice %arg7[%dma_start3A_53, %dma_start3A_54, %dma_start3A_61] : memref<2x4x200xi32, #tpu.memory_space<vmem>> -> memref<1x1x200xi32, #tpu.memory_space<vmem>>
    %dma_start3A_63 = tpu.memref_squeeze %dma_start3A_62 : memref<1x1x200xi32, #tpu.memory_space<vmem>> -> memref<200xi32, #tpu.memory_space<vmem>>
    %dma_start3A_64 = arith.constant 0 : i32
    %dma_start3A_65 = tpu.memref_slice %arg5[%dma_start3A_64] : memref<1000000xf32, #tpu.memory_space<hbm>> -> memref<1000000xf32, #tpu.memory_space<hbm>>
    %dma_start3A_66 = tpu.memref_slice %arg13[%dma_start3A_57] : memref<2x!tpu.dma_semaphore, #tpu.memory_space<semaphore_mem>> -> memref<1x!tpu.dma_semaphore, #tpu.memory_space<semaphore_mem>>
    %dma_start3A_67 = tpu.memref_squeeze %dma_start3A_66 : memref<1x!tpu.dma_semaphore, #tpu.memory_space<semaphore_mem>> -> memref<!tpu.dma_semaphore, #tpu.memory_space<semaphore_mem>>
    tpu.enqueue_indirect_dma source(%dma_start3A_65 : memref<1000000xf32, #tpu.memory_space<hbm>>) target(%dma_start3A_60 : memref<200xf32, #tpu.memory_space<vmem>>) offsets(%dma_start3A_63 : memref<200xi32, #tpu.memory_space<vmem>>) semaphore(%dma_start3A_67 : memref<!tpu.dma_semaphore, #tpu.memory_space<semaphore_mem>>)
    %dma_start3A_68 = arith.constant 0 : i32
    %dma_start3A_69 = arith.constant 2 : i32
    %dma_start3A_70 = arith.constant 0 : i32
    %dma_start3A_71 = arith.constant 2 : i32
    %dma_start3A_72 = arith.constant 0 : i32
    %dma_start3A_73 = arith.constant 0 : i32
    %dma_start3A_74 = arith.constant 0 : i32
    %dma_start3A_75 = tpu.memref_slice %arg8[%dma_start3A_70, %dma_start3A_71, %dma_start3A_73, %dma_start3A_74] : memref<2x4x200x16xf32, #tpu.memory_space<vmem>> -> memref<1x1x200x16xf32, #tpu.memory_space<vmem>>
    %dma_start3A_76 = tpu.memref_squeeze %dma_start3A_75 : memref<1x1x200x16xf32, #tpu.memory_space<vmem>> -> memref<200x16xf32, #tpu.memory_space<vmem>>
    %dma_start3A_77 = arith.constant 0 : i32
    %dma_start3A_78 = tpu.memref_slice %arg7[%dma_start3A_68, %dma_start3A_69, %dma_start3A_77] : memref<2x4x200xi32, #tpu.memory_space<vmem>> -> memref<1x1x200xi32, #tpu.memory_space<vmem>>
    %dma_start3A_79 = tpu.memref_squeeze %dma_start3A_78 : memref<1x1x200xi32, #tpu.memory_space<vmem>> -> memref<200xi32, #tpu.memory_space<vmem>>
    %dma_start3A_80 = arith.constant 0 : i32
    %dma_start3A_81 = arith.constant 0 : i32
    %dma_start3A_82 = tpu.memref_slice %arg4[%dma_start3A_80, %dma_start3A_81] : memref<1000000x16xf32, #tpu.memory_space<hbm>> -> memref<1000000x16xf32, #tpu.memory_space<hbm>>
    %dma_start3A_83 = tpu.memref_slice %arg12[%dma_start3A_72] : memref<2x!tpu.dma_semaphore, #tpu.memory_space<semaphore_mem>> -> memref<1x!tpu.dma_semaphore, #tpu.memory_space<semaphore_mem>>
    %dma_start3A_84 = tpu.memref_squeeze %dma_start3A_83 : memref<1x!tpu.dma_semaphore, #tpu.memory_space<semaphore_mem>> -> memref<!tpu.dma_semaphore, #tpu.memory_space<semaphore_mem>>
    tpu.enqueue_indirect_dma source(%dma_start3A_82 : memref<1000000x16xf32, #tpu.memory_space<hbm>>) target(%dma_start3A_76 : memref<200x16xf32, #tpu.memory_space<vmem>>) offsets(%dma_start3A_79 : memref<200xi32, #tpu.memory_space<vmem>>) semaphore(%dma_start3A_84 : memref<!tpu.dma_semaphore, #tpu.memory_space<semaphore_mem>>)
    %dma_start3A_85 = arith.constant 0 : i32
    %dma_start3A_86 = arith.constant 2 : i32
    %dma_start3A_87 = arith.constant 0 : i32
    %dma_start3A_88 = arith.constant 2 : i32
    %dma_start3A_89 = arith.constant 0 : i32
    %dma_start3A_90 = arith.constant 0 : i32
    %dma_start3A_91 = tpu.memref_slice %arg9[%dma_start3A_87, %dma_start3A_88, %dma_start3A_90] : memref<2x4x200xf32, #tpu.memory_space<vmem>> -> memref<1x1x200xf32, #tpu.memory_space<vmem>>
    %dma_start3A_92 = tpu.memref_squeeze %dma_start3A_91 : memref<1x1x200xf32, #tpu.memory_space<vmem>> -> memref<200xf32, #tpu.memory_space<vmem>>
    %dma_start3A_93 = arith.constant 0 : i32
    %dma_start3A_94 = tpu.memref_slice %arg7[%dma_start3A_85, %dma_start3A_86, %dma_start3A_93] : memref<2x4x200xi32, #tpu.memory_space<vmem>> -> memref<1x1x200xi32, #tpu.memory_space<vmem>>
    %dma_start3A_95 = tpu.memref_squeeze %dma_start3A_94 : memref<1x1x200xi32, #tpu.memory_space<vmem>> -> memref<200xi32, #tpu.memory_space<vmem>>
    %dma_start3A_96 = arith.constant 0 : i32
    %dma_start3A_97 = tpu.memref_slice %arg5[%dma_start3A_96] : memref<1000000xf32, #tpu.memory_space<hbm>> -> memref<1000000xf32, #tpu.memory_space<hbm>>
    %dma_start3A_98 = tpu.memref_slice %arg13[%dma_start3A_89] : memref<2x!tpu.dma_semaphore, #tpu.memory_space<semaphore_mem>> -> memref<1x!tpu.dma_semaphore, #tpu.memory_space<semaphore_mem>>
    %dma_start3A_99 = tpu.memref_squeeze %dma_start3A_98 : memref<1x!tpu.dma_semaphore, #tpu.memory_space<semaphore_mem>> -> memref<!tpu.dma_semaphore, #tpu.memory_space<semaphore_mem>>
    tpu.enqueue_indirect_dma source(%dma_start3A_97 : memref<1000000xf32, #tpu.memory_space<hbm>>) target(%dma_start3A_92 : memref<200xf32, #tpu.memory_space<vmem>>) offsets(%dma_start3A_95 : memref<200xi32, #tpu.memory_space<vmem>>) semaphore(%dma_start3A_99 : memref<!tpu.dma_semaphore, #tpu.memory_space<semaphore_mem>>)
    %dma_start3A_100 = arith.constant 0 : i32
    %dma_start3A_101 = arith.constant 3 : i32
    %dma_start3A_102 = arith.constant 0 : i32
    %dma_start3A_103 = arith.constant 3 : i32
    %dma_start3A_104 = arith.constant 0 : i32
    %dma_start3A_105 = arith.constant 0 : i32
    %dma_start3A_106 = arith.constant 0 : i32
    %dma_start3A_107 = tpu.memref_slice %arg8[%dma_start3A_102, %dma_start3A_103, %dma_start3A_105, %dma_start3A_106] : memref<2x4x200x16xf32, #tpu.memory_space<vmem>> -> memref<1x1x200x16xf32, #tpu.memory_space<vmem>>
    %dma_start3A_108 = tpu.memref_squeeze %dma_start3A_107 : memref<1x1x200x16xf32, #tpu.memory_space<vmem>> -> memref<200x16xf32, #tpu.memory_space<vmem>>
    %dma_start3A_109 = arith.constant 0 : i32
    %dma_start3A_110 = tpu.memref_slice %arg7[%dma_start3A_100, %dma_start3A_101, %dma_start3A_109] : memref<2x4x200xi32, #tpu.memory_space<vmem>> -> memref<1x1x200xi32, #tpu.memory_space<vmem>>
    %dma_start3A_111 = tpu.memref_squeeze %dma_start3A_110 : memref<1x1x200xi32, #tpu.memory_space<vmem>> -> memref<200xi32, #tpu.memory_space<vmem>>
    %dma_start3A_112 = arith.constant 0 : i32
    %dma_start3A_113 = arith.constant 0 : i32
    %dma_start3A_114 = tpu.memref_slice %arg4[%dma_start3A_112, %dma_start3A_113] : memref<1000000x16xf32, #tpu.memory_space<hbm>> -> memref<1000000x16xf32, #tpu.memory_space<hbm>>
    %dma_start3A_115 = tpu.memref_slice %arg12[%dma_start3A_104] : memref<2x!tpu.dma_semaphore, #tpu.memory_space<semaphore_mem>> -> memref<1x!tpu.dma_semaphore, #tpu.memory_space<semaphore_mem>>
    %dma_start3A_116 = tpu.memref_squeeze %dma_start3A_115 : memref<1x!tpu.dma_semaphore, #tpu.memory_space<semaphore_mem>> -> memref<!tpu.dma_semaphore, #tpu.memory_space<semaphore_mem>>
    tpu.enqueue_indirect_dma source(%dma_start3A_114 : memref<1000000x16xf32, #tpu.memory_space<hbm>>) target(%dma_start3A_108 : memref<200x16xf32, #tpu.memory_space<vmem>>) offsets(%dma_start3A_111 : memref<200xi32, #tpu.memory_space<vmem>>) semaphore(%dma_start3A_116 : memref<!tpu.dma_semaphore, #tpu.memory_space<semaphore_mem>>)
    %dma_start3A_117 = arith.constant 0 : i32
    %dma_start3A_118 = arith.constant 3 : i32
    %dma_start3A_119 = arith.constant 0 : i32
    %dma_start3A_120 = arith.constant 3 : i32
    %dma_start3A_121 = arith.constant 0 : i32
    %dma_start3A_122 = arith.constant 0 : i32
    %dma_start3A_123 = tpu.memref_slice %arg9[%dma_start3A_119, %dma_start3A_120, %dma_start3A_122] : memref<2x4x200xf32, #tpu.memory_space<vmem>> -> memref<1x1x200xf32, #tpu.memory_space<vmem>>
    %dma_start3A_124 = tpu.memref_squeeze %dma_start3A_123 : memref<1x1x200xf32, #tpu.memory_space<vmem>> -> memref<200xf32, #tpu.memory_space<vmem>>
    %dma_start3A_125 = arith.constant 0 : i32
    %dma_start3A_126 = tpu.memref_slice %arg7[%dma_start3A_117, %dma_start3A_118, %dma_start3A_125] : memref<2x4x200xi32, #tpu.memory_space<vmem>> -> memref<1x1x200xi32, #tpu.memory_space<vmem>>
    %dma_start3A_127 = tpu.memref_squeeze %dma_start3A_126 : memref<1x1x200xi32, #tpu.memory_space<vmem>> -> memref<200xi32, #tpu.memory_space<vmem>>
    %dma_start3A_128 = arith.constant 0 : i32
    %dma_start3A_129 = tpu.memref_slice %arg5[%dma_start3A_128] : memref<1000000xf32, #tpu.memory_space<hbm>> -> memref<1000000xf32, #tpu.memory_space<hbm>>
    %dma_start3A_130 = tpu.memref_slice %arg13[%dma_start3A_121] : memref<2x!tpu.dma_semaphore, #tpu.memory_space<semaphore_mem>> -> memref<1x!tpu.dma_semaphore, #tpu.memory_space<semaphore_mem>>
    %dma_start3A_131 = tpu.memref_squeeze %dma_start3A_130 : memref<1x!tpu.dma_semaphore, #tpu.memory_space<semaphore_mem>> -> memref<!tpu.dma_semaphore, #tpu.memory_space<semaphore_mem>>
    tpu.enqueue_indirect_dma source(%dma_start3A_129 : memref<1000000xf32, #tpu.memory_space<hbm>>) target(%dma_start3A_124 : memref<200xf32, #tpu.memory_space<vmem>>) offsets(%dma_start3A_127 : memref<200xi32, #tpu.memory_space<vmem>>) semaphore(%dma_start3A_131 : memref<!tpu.dma_semaphore, #tpu.memory_space<semaphore_mem>>)
    %scan3A = arith.constant 0 : i32
    %scan3A_132 = arith.constant 0 : i32
    %scan3A_133 = arith.constant 32 : i32
    %scan3A_134 = arith.addi %scan3A_132, %scan3A_133 : i32
    %scan3A_135 = arith.constant 1 : i32
    scf.for %scan3A_137 = %scan3A_132 to %scan3A_134 step %scan3A_135  : i32 {
      %rem3A = arith.constant 2 : i32
      %rem3A_138 = arith.remsi %scan3A_137, %rem3A : i32
      %dma_wait3A = arith.constant 0 : i32
      %dma_wait3A_139 = arith.constant 0 : i32
      %dma_wait3A_140 = arith.constant 0 : i32
      %dma_wait3A_141 = arith.constant 0 : i32
      %dma_wait3A_142 = tpu.memref_slice %arg8[%rem3A_138, %dma_wait3A_139, %dma_wait3A_140, %dma_wait3A_141] : memref<2x4x200x16xf32, #tpu.memory_space<vmem>> -> memref<1x1x200x16xf32, #tpu.memory_space<vmem>>
      %dma_wait3A_143 = tpu.memref_squeeze %dma_wait3A_142 : memref<1x1x200x16xf32, #tpu.memory_space<vmem>> -> memref<200x16xf32, #tpu.memory_space<vmem>>
      %dma_wait3A_144 = arith.constant 0 : i32
      %dma_wait3A_145 = tpu.memref_slice %arg7[%rem3A_138, %dma_wait3A, %dma_wait3A_144] : memref<2x4x200xi32, #tpu.memory_space<vmem>> -> memref<1x1x200xi32, #tpu.memory_space<vmem>>
      %dma_wait3A_146 = tpu.memref_squeeze %dma_wait3A_145 : memref<1x1x200xi32, #tpu.memory_space<vmem>> -> memref<200xi32, #tpu.memory_space<vmem>>
      %dma_wait3A_147 = arith.constant 0 : i32
      %dma_wait3A_148 = arith.constant 0 : i32
      %dma_wait3A_149 = tpu.memref_slice %arg4[%dma_wait3A_147, %dma_wait3A_148] : memref<1000000x16xf32, #tpu.memory_space<hbm>> -> memref<1000000x16xf32, #tpu.memory_space<hbm>>
      %dma_wait3A_150 = tpu.memref_slice %arg12[%rem3A_138] : memref<2x!tpu.dma_semaphore, #tpu.memory_space<semaphore_mem>> -> memref<1x!tpu.dma_semaphore, #tpu.memory_space<semaphore_mem>>
      %dma_wait3A_151 = tpu.memref_squeeze %dma_wait3A_150 : memref<1x!tpu.dma_semaphore, #tpu.memory_space<semaphore_mem>> -> memref<!tpu.dma_semaphore, #tpu.memory_space<semaphore_mem>>
      tpu.wait_indirect_dma semaphore(%dma_wait3A_151 : memref<!tpu.dma_semaphore, #tpu.memory_space<semaphore_mem>>) src(%dma_wait3A_149 : memref<1000000x16xf32, #tpu.memory_space<hbm>>) dst(%dma_wait3A_143 : memref<200x16xf32, #tpu.memory_space<vmem>>)
      %dma_wait3A_152 = arith.constant 0 : i32
      %dma_wait3A_153 = arith.constant 0 : i32
      %dma_wait3A_154 = arith.constant 0 : i32
      %dma_wait3A_155 = tpu.memref_slice %arg9[%rem3A_138, %dma_wait3A_153, %dma_wait3A_154] : memref<2x4x200xf32, #tpu.memory_space<vmem>> -> memref<1x1x200xf32, #tpu.memory_space<vmem>>
      %dma_wait3A_156 = tpu.memref_squeeze %dma_wait3A_155 : memref<1x1x200xf32, #tpu.memory_space<vmem>> -> memref<200xf32, #tpu.memory_space<vmem>>
      %dma_wait3A_157 = arith.constant 0 : i32
      %dma_wait3A_158 = tpu.memref_slice %arg7[%rem3A_138, %dma_wait3A_152, %dma_wait3A_157] : memref<2x4x200xi32, #tpu.memory_space<vmem>> -> memref<1x1x200xi32, #tpu.memory_space<vmem>>
      %dma_wait3A_159 = tpu.memref_squeeze %dma_wait3A_158 : memref<1x1x200xi32, #tpu.memory_space<vmem>> -> memref<200xi32, #tpu.memory_space<vmem>>
      %dma_wait3A_160 = arith.constant 0 : i32
      %dma_wait3A_161 = tpu.memref_slice %arg5[%dma_wait3A_160] : memref<1000000xf32, #tpu.memory_space<hbm>> -> memref<1000000xf32, #tpu.memory_space<hbm>>
      %dma_wait3A_162 = tpu.memref_slice %arg13[%rem3A_138] : memref<2x!tpu.dma_semaphore, #tpu.memory_space<semaphore_mem>> -> memref<1x!tpu.dma_semaphore, #tpu.memory_space<semaphore_mem>>
      %dma_wait3A_163 = tpu.memref_squeeze %dma_wait3A_162 : memref<1x!tpu.dma_semaphore, #tpu.memory_space<semaphore_mem>> -> memref<!tpu.dma_semaphore, #tpu.memory_space<semaphore_mem>>
      tpu.wait_indirect_dma semaphore(%dma_wait3A_163 : memref<!tpu.dma_semaphore, #tpu.memory_space<semaphore_mem>>) src(%dma_wait3A_161 : memref<1000000xf32, #tpu.memory_space<hbm>>) dst(%dma_wait3A_156 : memref<200xf32, #tpu.memory_space<vmem>>)
      %dma_wait3A_164 = arith.constant 1 : i32
      %dma_wait3A_165 = arith.constant 1 : i32
      %dma_wait3A_166 = arith.constant 0 : i32
      %dma_wait3A_167 = arith.constant 0 : i32
      %dma_wait3A_168 = tpu.memref_slice %arg8[%rem3A_138, %dma_wait3A_165, %dma_wait3A_166, %dma_wait3A_167] : memref<2x4x200x16xf32, #tpu.memory_space<vmem>> -> memref<1x1x200x16xf32, #tpu.memory_space<vmem>>
      %dma_wait3A_169 = tpu.memref_squeeze %dma_wait3A_168 : memref<1x1x200x16xf32, #tpu.memory_space<vmem>> -> memref<200x16xf32, #tpu.memory_space<vmem>>
      %dma_wait3A_170 = arith.constant 0 : i32
      %dma_wait3A_171 = tpu.memref_slice %arg7[%rem3A_138, %dma_wait3A_164, %dma_wait3A_170] : memref<2x4x200xi32, #tpu.memory_space<vmem>> -> memref<1x1x200xi32, #tpu.memory_space<vmem>>
      %dma_wait3A_172 = tpu.memref_squeeze %dma_wait3A_171 : memref<1x1x200xi32, #tpu.memory_space<vmem>> -> memref<200xi32, #tpu.memory_space<vmem>>
      %dma_wait3A_173 = arith.constant 0 : i32
      %dma_wait3A_174 = arith.constant 0 : i32
      %dma_wait3A_175 = tpu.memref_slice %arg4[%dma_wait3A_173, %dma_wait3A_174] : memref<1000000x16xf32, #tpu.memory_space<hbm>> -> memref<1000000x16xf32, #tpu.memory_space<hbm>>
      %dma_wait3A_176 = tpu.memref_slice %arg12[%rem3A_138] : memref<2x!tpu.dma_semaphore, #tpu.memory_space<semaphore_mem>> -> memref<1x!tpu.dma_semaphore, #tpu.memory_space<semaphore_mem>>
      %dma_wait3A_177 = tpu.memref_squeeze %dma_wait3A_176 : memref<1x!tpu.dma_semaphore, #tpu.memory_space<semaphore_mem>> -> memref<!tpu.dma_semaphore, #tpu.memory_space<semaphore_mem>>
      tpu.wait_indirect_dma semaphore(%dma_wait3A_177 : memref<!tpu.dma_semaphore, #tpu.memory_space<semaphore_mem>>) src(%dma_wait3A_175 : memref<1000000x16xf32, #tpu.memory_space<hbm>>) dst(%dma_wait3A_169 : memref<200x16xf32, #tpu.memory_space<vmem>>)
      %dma_wait3A_178 = arith.constant 1 : i32
      %dma_wait3A_179 = arith.constant 1 : i32
      %dma_wait3A_180 = arith.constant 0 : i32
      %dma_wait3A_181 = tpu.memref_slice %arg9[%rem3A_138, %dma_wait3A_179, %dma_wait3A_180] : memref<2x4x200xf32, #tpu.memory_space<vmem>> -> memref<1x1x200xf32, #tpu.memory_space<vmem>>
      %dma_wait3A_182 = tpu.memref_squeeze %dma_wait3A_181 : memref<1x1x200xf32, #tpu.memory_space<vmem>> -> memref<200xf32, #tpu.memory_space<vmem>>
      %dma_wait3A_183 = arith.constant 0 : i32
      %dma_wait3A_184 = tpu.memref_slice %arg7[%rem3A_138, %dma_wait3A_178, %dma_wait3A_183] : memref<2x4x200xi32, #tpu.memory_space<vmem>> -> memref<1x1x200xi32, #tpu.memory_space<vmem>>
      %dma_wait3A_185 = tpu.memref_squeeze %dma_wait3A_184 : memref<1x1x200xi32, #tpu.memory_space<vmem>> -> memref<200xi32, #tpu.memory_space<vmem>>
      %dma_wait3A_186 = arith.constant 0 : i32
      %dma_wait3A_187 = tpu.memref_slice %arg5[%dma_wait3A_186] : memref<1000000xf32, #tpu.memory_space<hbm>> -> memref<1000000xf32, #tpu.memory_space<hbm>>
      %dma_wait3A_188 = tpu.memref_slice %arg13[%rem3A_138] : memref<2x!tpu.dma_semaphore, #tpu.memory_space<semaphore_mem>> -> memref<1x!tpu.dma_semaphore, #tpu.memory_space<semaphore_mem>>
      %dma_wait3A_189 = tpu.memref_squeeze %dma_wait3A_188 : memref<1x!tpu.dma_semaphore, #tpu.memory_space<semaphore_mem>> -> memref<!tpu.dma_semaphore, #tpu.memory_space<semaphore_mem>>
      tpu.wait_indirect_dma semaphore(%dma_wait3A_189 : memref<!tpu.dma_semaphore, #tpu.memory_space<semaphore_mem>>) src(%dma_wait3A_187 : memref<1000000xf32, #tpu.memory_space<hbm>>) dst(%dma_wait3A_182 : memref<200xf32, #tpu.memory_space<vmem>>)
      %dma_wait3A_190 = arith.constant 2 : i32
      %dma_wait3A_191 = arith.constant 2 : i32
      %dma_wait3A_192 = arith.constant 0 : i32
      %dma_wait3A_193 = arith.constant 0 : i32
      %dma_wait3A_194 = tpu.memref_slice %arg8[%rem3A_138, %dma_wait3A_191, %dma_wait3A_192, %dma_wait3A_193] : memref<2x4x200x16xf32, #tpu.memory_space<vmem>> -> memref<1x1x200x16xf32, #tpu.memory_space<vmem>>
      %dma_wait3A_195 = tpu.memref_squeeze %dma_wait3A_194 : memref<1x1x200x16xf32, #tpu.memory_space<vmem>> -> memref<200x16xf32, #tpu.memory_space<vmem>>
      %dma_wait3A_196 = arith.constant 0 : i32
      %dma_wait3A_197 = tpu.memref_slice %arg7[%rem3A_138, %dma_wait3A_190, %dma_wait3A_196] : memref<2x4x200xi32, #tpu.memory_space<vmem>> -> memref<1x1x200xi32, #tpu.memory_space<vmem>>
      %dma_wait3A_198 = tpu.memref_squeeze %dma_wait3A_197 : memref<1x1x200xi32, #tpu.memory_space<vmem>> -> memref<200xi32, #tpu.memory_space<vmem>>
      %dma_wait3A_199 = arith.constant 0 : i32
      %dma_wait3A_200 = arith.constant 0 : i32
      %dma_wait3A_201 = tpu.memref_slice %arg4[%dma_wait3A_199, %dma_wait3A_200] : memref<1000000x16xf32, #tpu.memory_space<hbm>> -> memref<1000000x16xf32, #tpu.memory_space<hbm>>
      %dma_wait3A_202 = tpu.memref_slice %arg12[%rem3A_138] : memref<2x!tpu.dma_semaphore, #tpu.memory_space<semaphore_mem>> -> memref<1x!tpu.dma_semaphore, #tpu.memory_space<semaphore_mem>>
      %dma_wait3A_203 = tpu.memref_squeeze %dma_wait3A_202 : memref<1x!tpu.dma_semaphore, #tpu.memory_space<semaphore_mem>> -> memref<!tpu.dma_semaphore, #tpu.memory_space<semaphore_mem>>
      tpu.wait_indirect_dma semaphore(%dma_wait3A_203 : memref<!tpu.dma_semaphore, #tpu.memory_space<semaphore_mem>>) src(%dma_wait3A_201 : memref<1000000x16xf32, #tpu.memory_space<hbm>>) dst(%dma_wait3A_195 : memref<200x16xf32, #tpu.memory_space<vmem>>)
      %dma_wait3A_204 = arith.constant 2 : i32
      %dma_wait3A_205 = arith.constant 2 : i32
      %dma_wait3A_206 = arith.constant 0 : i32
      %dma_wait3A_207 = tpu.memref_slice %arg9[%rem3A_138, %dma_wait3A_205, %dma_wait3A_206] : memref<2x4x200xf32, #tpu.memory_space<vmem>> -> memref<1x1x200xf32, #tpu.memory_space<vmem>>
      %dma_wait3A_208 = tpu.memref_squeeze %dma_wait3A_207 : memref<1x1x200xf32, #tpu.memory_space<vmem>> -> memref<200xf32, #tpu.memory_space<vmem>>
      %dma_wait3A_209 = arith.constant 0 : i32
      %dma_wait3A_210 = tpu.memref_slice %arg7[%rem3A_138, %dma_wait3A_204, %dma_wait3A_209] : memref<2x4x200xi32, #tpu.memory_space<vmem>> -> memref<1x1x200xi32, #tpu.memory_space<vmem>>
      %dma_wait3A_211 = tpu.memref_squeeze %dma_wait3A_210 : memref<1x1x200xi32, #tpu.memory_space<vmem>> -> memref<200xi32, #tpu.memory_space<vmem>>
      %dma_wait3A_212 = arith.constant 0 : i32
      %dma_wait3A_213 = tpu.memref_slice %arg5[%dma_wait3A_212] : memref<1000000xf32, #tpu.memory_space<hbm>> -> memref<1000000xf32, #tpu.memory_space<hbm>>
      %dma_wait3A_214 = tpu.memref_slice %arg13[%rem3A_138] : memref<2x!tpu.dma_semaphore, #tpu.memory_space<semaphore_mem>> -> memref<1x!tpu.dma_semaphore, #tpu.memory_space<semaphore_mem>>
      %dma_wait3A_215 = tpu.memref_squeeze %dma_wait3A_214 : memref<1x!tpu.dma_semaphore, #tpu.memory_space<semaphore_mem>> -> memref<!tpu.dma_semaphore, #tpu.memory_space<semaphore_mem>>
      tpu.wait_indirect_dma semaphore(%dma_wait3A_215 : memref<!tpu.dma_semaphore, #tpu.memory_space<semaphore_mem>>) src(%dma_wait3A_213 : memref<1000000xf32, #tpu.memory_space<hbm>>) dst(%dma_wait3A_208 : memref<200xf32, #tpu.memory_space<vmem>>)
      %dma_wait3A_216 = arith.constant 3 : i32
      %dma_wait3A_217 = arith.constant 3 : i32
      %dma_wait3A_218 = arith.constant 0 : i32
      %dma_wait3A_219 = arith.constant 0 : i32
      %dma_wait3A_220 = tpu.memref_slice %arg8[%rem3A_138, %dma_wait3A_217, %dma_wait3A_218, %dma_wait3A_219] : memref<2x4x200x16xf32, #tpu.memory_space<vmem>> -> memref<1x1x200x16xf32, #tpu.memory_space<vmem>>
      %dma_wait3A_221 = tpu.memref_squeeze %dma_wait3A_220 : memref<1x1x200x16xf32, #tpu.memory_space<vmem>> -> memref<200x16xf32, #tpu.memory_space<vmem>>
      %dma_wait3A_222 = arith.constant 0 : i32
      %dma_wait3A_223 = tpu.memref_slice %arg7[%rem3A_138, %dma_wait3A_216, %dma_wait3A_222] : memref<2x4x200xi32, #tpu.memory_space<vmem>> -> memref<1x1x200xi32, #tpu.memory_space<vmem>>
      %dma_wait3A_224 = tpu.memref_squeeze %dma_wait3A_223 : memref<1x1x200xi32, #tpu.memory_space<vmem>> -> memref<200xi32, #tpu.memory_space<vmem>>
      %dma_wait3A_225 = arith.constant 0 : i32
      %dma_wait3A_226 = arith.constant 0 : i32
      %dma_wait3A_227 = tpu.memref_slice %arg4[%dma_wait3A_225, %dma_wait3A_226] : memref<1000000x16xf32, #tpu.memory_space<hbm>> -> memref<1000000x16xf32, #tpu.memory_space<hbm>>
      %dma_wait3A_228 = tpu.memref_slice %arg12[%rem3A_138] : memref<2x!tpu.dma_semaphore, #tpu.memory_space<semaphore_mem>> -> memref<1x!tpu.dma_semaphore, #tpu.memory_space<semaphore_mem>>
      %dma_wait3A_229 = tpu.memref_squeeze %dma_wait3A_228 : memref<1x!tpu.dma_semaphore, #tpu.memory_space<semaphore_mem>> -> memref<!tpu.dma_semaphore, #tpu.memory_space<semaphore_mem>>
      tpu.wait_indirect_dma semaphore(%dma_wait3A_229 : memref<!tpu.dma_semaphore, #tpu.memory_space<semaphore_mem>>) src(%dma_wait3A_227 : memref<1000000x16xf32, #tpu.memory_space<hbm>>) dst(%dma_wait3A_221 : memref<200x16xf32, #tpu.memory_space<vmem>>)
      %dma_wait3A_230 = arith.constant 3 : i32
      %dma_wait3A_231 = arith.constant 3 : i32
      %dma_wait3A_232 = arith.constant 0 : i32
      %dma_wait3A_233 = tpu.memref_slice %arg9[%rem3A_138, %dma_wait3A_231, %dma_wait3A_232] : memref<2x4x200xf32, #tpu.memory_space<vmem>> -> memref<1x1x200xf32, #tpu.memory_space<vmem>>
      %dma_wait3A_234 = tpu.memref_squeeze %dma_wait3A_233 : memref<1x1x200xf32, #tpu.memory_space<vmem>> -> memref<200xf32, #tpu.memory_space<vmem>>
      %dma_wait3A_235 = arith.constant 0 : i32
      %dma_wait3A_236 = tpu.memref_slice %arg7[%rem3A_138, %dma_wait3A_230, %dma_wait3A_235] : memref<2x4x200xi32, #tpu.memory_space<vmem>> -> memref<1x1x200xi32, #tpu.memory_space<vmem>>
      %dma_wait3A_237 = tpu.memref_squeeze %dma_wait3A_236 : memref<1x1x200xi32, #tpu.memory_space<vmem>> -> memref<200xi32, #tpu.memory_space<vmem>>
      %dma_wait3A_238 = arith.constant 0 : i32
      %dma_wait3A_239 = tpu.memref_slice %arg5[%dma_wait3A_238] : memref<1000000xf32, #tpu.memory_space<hbm>> -> memref<1000000xf32, #tpu.memory_space<hbm>>
      %dma_wait3A_240 = tpu.memref_slice %arg13[%rem3A_138] : memref<2x!tpu.dma_semaphore, #tpu.memory_space<semaphore_mem>> -> memref<1x!tpu.dma_semaphore, #tpu.memory_space<semaphore_mem>>
      %dma_wait3A_241 = tpu.memref_squeeze %dma_wait3A_240 : memref<1x!tpu.dma_semaphore, #tpu.memory_space<semaphore_mem>> -> memref<!tpu.dma_semaphore, #tpu.memory_space<semaphore_mem>>
      tpu.wait_indirect_dma semaphore(%dma_wait3A_241 : memref<!tpu.dma_semaphore, #tpu.memory_space<semaphore_mem>>) src(%dma_wait3A_239 : memref<1000000xf32, #tpu.memory_space<hbm>>) dst(%dma_wait3A_234 : memref<200xf32, #tpu.memory_space<vmem>>)
      %add3A_242 = arith.constant 2 : i32
      %add3A_243 = arith.addi %scan3A_137, %add3A_242 : i32
      %sub3A = arith.constant 1 : i32
      %sub3A_244 = arith.subi %add3A_243, %sub3A : i32
      %lt3A = arith.constant 32 : i32
      %lt3A_245 = arith.cmpi slt, %sub3A_244, %lt3A : i32
      %convert_element_type3A = arith.extui %lt3A_245 : i1 to i32
      %cond3A = arith.constant 0 : i32
      %cond3A_246 = arith.cmpi ne, %convert_element_type3A, %cond3A : i32
      scf.if %cond3A_246 {
        %add3A_256 = arith.constant 2 : i32
        %add3A_257 = arith.addi %scan3A_137, %add3A_256 : i32
        %sub3A_258 = arith.constant 1 : i32
        %sub3A_259 = arith.subi %add3A_257, %sub3A_258 : i32
        %add3A_260 = arith.constant 2 : i32
        %add3A_261 = arith.addi %scan3A_137, %add3A_260 : i32
        %sub3A_262 = arith.constant 1 : i32
        %sub3A_263 = arith.subi %add3A_261, %sub3A_262 : i32
        %rem3A_264 = arith.constant 2 : i32
        %rem3A_265 = arith.remsi %sub3A_263, %rem3A_264 : i32
        %mul3A_266 = arith.constant 4 : i32
        %mul3A_267 = arith.muli %sub3A_259, %mul3A_266 : i32
        %add3A_268 = arith.addi %mul3A_2, %mul3A_267 : i32
        "tpu.region"() ({
          %run_scoped3A_373 = tpu.sem_alloc : memref<!tpu.dma_semaphore, #tpu.memory_space<semaphore_mem>>
          %dma_start3A_374 = arith.constant 0 : i32
          %dma_start3A_375 = arith.constant 0 : i32
          %dma_start3A_376 = tpu.memref_slice %arg7[%rem3A_265, %dma_start3A_374, %dma_start3A_375] : memref<2x4x200xi32, #tpu.memory_space<vmem>> -> memref<1x4x200xi32, #tpu.memory_space<vmem>>
          %dma_start3A_377 = tpu.memref_squeeze %dma_start3A_376 : memref<1x4x200xi32, #tpu.memory_space<vmem>> -> memref<4x200xi32, #tpu.memory_space<vmem>>
          %dma_start3A_378 = arith.constant 0 : i32
          %dma_start3A_379 = tpu.memref_slice %arg3[%add3A_268, %dma_start3A_378] : memref<4096x200xi32, #tpu.memory_space<hbm>> -> memref<4x200xi32, #tpu.memory_space<hbm>>
          %dma_start3A_380 = arith.constant 0 : i32
          %dma_start3A_381 = arith.constant 0 : i32
          %dma_start3A_382 = tpu.memref_slice %arg7[%rem3A_265, %dma_start3A_380, %dma_start3A_381] : memref<2x4x200xi32, #tpu.memory_space<vmem>> -> memref<1x4x200xi32, #tpu.memory_space<vmem>>
          %dma_start3A_383 = tpu.memref_squeeze %dma_start3A_382 : memref<1x4x200xi32, #tpu.memory_space<vmem>> -> memref<4x200xi32, #tpu.memory_space<vmem>>
          %dma_start3A_384 = arith.constant 0 : i32
          %dma_start3A_385 = tpu.memref_slice %arg3[%add3A_268, %dma_start3A_384] : memref<4096x200xi32, #tpu.memory_space<hbm>> -> memref<4x200xi32, #tpu.memory_space<hbm>>
          tpu.enqueue_dma source(%dma_start3A_385 : memref<4x200xi32, #tpu.memory_space<hbm>>) target(%dma_start3A_383 : memref<4x200xi32, #tpu.memory_space<vmem>>) target_semaphore(%run_scoped3A_373 : memref<!tpu.dma_semaphore, #tpu.memory_space<semaphore_mem>>)
          %dma_wait3A_386 = arith.constant 0 : i32
          %dma_wait3A_387 = arith.constant 0 : i32
          %dma_wait3A_388 = tpu.memref_slice %arg7[%rem3A_265, %dma_wait3A_386, %dma_wait3A_387] : memref<2x4x200xi32, #tpu.memory_space<vmem>> -> memref<1x4x200xi32, #tpu.memory_space<vmem>>
          %dma_wait3A_389 = tpu.memref_squeeze %dma_wait3A_388 : memref<1x4x200xi32, #tpu.memory_space<vmem>> -> memref<4x200xi32, #tpu.memory_space<vmem>>
          %dma_wait3A_390 = arith.constant 0 : i32
          %dma_wait3A_391 = tpu.memref_slice %arg3[%add3A_268, %dma_wait3A_390] : memref<4096x200xi32, #tpu.memory_space<hbm>> -> memref<4x200xi32, #tpu.memory_space<hbm>>
          %dma_wait3A_392 = arith.constant 0 : i32
          %dma_wait3A_393 = arith.constant 0 : i32
          %dma_wait3A_394 = tpu.memref_slice %arg7[%rem3A_265, %dma_wait3A_392, %dma_wait3A_393] : memref<2x4x200xi32, #tpu.memory_space<vmem>> -> memref<1x4x200xi32, #tpu.memory_space<vmem>>
          %dma_wait3A_395 = tpu.memref_squeeze %dma_wait3A_394 : memref<1x4x200xi32, #tpu.memory_space<vmem>> -> memref<4x200xi32, #tpu.memory_space<vmem>>
          %dma_wait3A_396 = arith.constant 0 : i32
          %dma_wait3A_397 = tpu.memref_slice %arg3[%add3A_268, %dma_wait3A_396] : memref<4096x200xi32, #tpu.memory_space<hbm>> -> memref<4x200xi32, #tpu.memory_space<hbm>>
          tpu.wait_dma2 semaphore(%run_scoped3A_373 : memref<!tpu.dma_semaphore, #tpu.memory_space<semaphore_mem>>) src(%dma_wait3A_397 : memref<4x200xi32, #tpu.memory_space<hbm>>) dst(%dma_wait3A_395 : memref<4x200xi32, #tpu.memory_space<vmem>>)
          tpu.yield
        }) : () -> ()
        %dma_start3A_269 = arith.constant 0 : i32
        %dma_start3A_270 = arith.constant 0 : i32
        %dma_start3A_271 = arith.constant 0 : i32
        %dma_start3A_272 = arith.constant 0 : i32
        %dma_start3A_273 = tpu.memref_slice %arg8[%rem3A_265, %dma_start3A_270, %dma_start3A_271, %dma_start3A_272] : memref<2x4x200x16xf32, #tpu.memory_space<vmem>> -> memref<1x1x200x16xf32, #tpu.memory_space<vmem>>
        %dma_start3A_274 = tpu.memref_squeeze %dma_start3A_273 : memref<1x1x200x16xf32, #tpu.memory_space<vmem>> -> memref<200x16xf32, #tpu.memory_space<vmem>>
        %dma_start3A_275 = arith.constant 0 : i32
        %dma_start3A_276 = tpu.memref_slice %arg7[%rem3A_265, %dma_start3A_269, %dma_start3A_275] : memref<2x4x200xi32, #tpu.memory_space<vmem>> -> memref<1x1x200xi32, #tpu.memory_space<vmem>>
        %dma_start3A_277 = tpu.memref_squeeze %dma_start3A_276 : memref<1x1x200xi32, #tpu.memory_space<vmem>> -> memref<200xi32, #tpu.memory_space<vmem>>
        %dma_start3A_278 = arith.constant 0 : i32
        %dma_start3A_279 = arith.constant 0 : i32
        %dma_start3A_280 = tpu.memref_slice %arg4[%dma_start3A_278, %dma_start3A_279] : memref<1000000x16xf32, #tpu.memory_space<hbm>> -> memref<1000000x16xf32, #tpu.memory_space<hbm>>
        %dma_start3A_281 = tpu.memref_slice %arg12[%rem3A_265] : memref<2x!tpu.dma_semaphore, #tpu.memory_space<semaphore_mem>> -> memref<1x!tpu.dma_semaphore, #tpu.memory_space<semaphore_mem>>
        %dma_start3A_282 = tpu.memref_squeeze %dma_start3A_281 : memref<1x!tpu.dma_semaphore, #tpu.memory_space<semaphore_mem>> -> memref<!tpu.dma_semaphore, #tpu.memory_space<semaphore_mem>>
        tpu.enqueue_indirect_dma source(%dma_start3A_280 : memref<1000000x16xf32, #tpu.memory_space<hbm>>) target(%dma_start3A_274 : memref<200x16xf32, #tpu.memory_space<vmem>>) offsets(%dma_start3A_277 : memref<200xi32, #tpu.memory_space<vmem>>) semaphore(%dma_start3A_282 : memref<!tpu.dma_semaphore, #tpu.memory_space<semaphore_mem>>)
        %dma_start3A_283 = arith.constant 0 : i32
        %dma_start3A_284 = arith.constant 0 : i32
        %dma_start3A_285 = arith.constant 0 : i32
        %dma_start3A_286 = tpu.memref_slice %arg9[%rem3A_265, %dma_start3A_284, %dma_start3A_285] : memref<2x4x200xf32, #tpu.memory_space<vmem>> -> memref<1x1x200xf32, #tpu.memory_space<vmem>>
        %dma_start3A_287 = tpu.memref_squeeze %dma_start3A_286 : memref<1x1x200xf32, #tpu.memory_space<vmem>> -> memref<200xf32, #tpu.memory_space<vmem>>
        %dma_start3A_288 = arith.constant 0 : i32
        %dma_start3A_289 = tpu.memref_slice %arg7[%rem3A_265, %dma_start3A_283, %dma_start3A_288] : memref<2x4x200xi32, #tpu.memory_space<vmem>> -> memref<1x1x200xi32, #tpu.memory_space<vmem>>
        %dma_start3A_290 = tpu.memref_squeeze %dma_start3A_289 : memref<1x1x200xi32, #tpu.memory_space<vmem>> -> memref<200xi32, #tpu.memory_space<vmem>>
        %dma_start3A_291 = arith.constant 0 : i32
        %dma_start3A_292 = tpu.memref_slice %arg5[%dma_start3A_291] : memref<1000000xf32, #tpu.memory_space<hbm>> -> memref<1000000xf32, #tpu.memory_space<hbm>>
        %dma_start3A_293 = tpu.memref_slice %arg13[%rem3A_265] : memref<2x!tpu.dma_semaphore, #tpu.memory_space<semaphore_mem>> -> memref<1x!tpu.dma_semaphore, #tpu.memory_space<semaphore_mem>>
        %dma_start3A_294 = tpu.memref_squeeze %dma_start3A_293 : memref<1x!tpu.dma_semaphore, #tpu.memory_space<semaphore_mem>> -> memref<!tpu.dma_semaphore, #tpu.memory_space<semaphore_mem>>
        tpu.enqueue_indirect_dma source(%dma_start3A_292 : memref<1000000xf32, #tpu.memory_space<hbm>>) target(%dma_start3A_287 : memref<200xf32, #tpu.memory_space<vmem>>) offsets(%dma_start3A_290 : memref<200xi32, #tpu.memory_space<vmem>>) semaphore(%dma_start3A_294 : memref<!tpu.dma_semaphore, #tpu.memory_space<semaphore_mem>>)
        %dma_start3A_295 = arith.constant 1 : i32
        %dma_start3A_296 = arith.constant 1 : i32
        %dma_start3A_297 = arith.constant 0 : i32
        %dma_start3A_298 = arith.constant 0 : i32
        %dma_start3A_299 = tpu.memref_slice %arg8[%rem3A_265, %dma_start3A_296, %dma_start3A_297, %dma_start3A_298] : memref<2x4x200x16xf32, #tpu.memory_space<vmem>> -> memref<1x1x200x16xf32, #tpu.memory_space<vmem>>
        %dma_start3A_300 = tpu.memref_squeeze %dma_start3A_299 : memref<1x1x200x16xf32, #tpu.memory_space<vmem>> -> memref<200x16xf32, #tpu.memory_space<vmem>>
        %dma_start3A_301 = arith.constant 0 : i32
        %dma_start3A_302 = tpu.memref_slice %arg7[%rem3A_265, %dma_start3A_295, %dma_start3A_301] : memref<2x4x200xi32, #tpu.memory_space<vmem>> -> memref<1x1x200xi32, #tpu.memory_space<vmem>>
        %dma_start3A_303 = tpu.memref_squeeze %dma_start3A_302 : memref<1x1x200xi32, #tpu.memory_space<vmem>> -> memref<200xi32, #tpu.memory_space<vmem>>
        %dma_start3A_304 = arith.constant 0 : i32
        %dma_start3A_305 = arith.constant 0 : i32
        %dma_start3A_306 = tpu.memref_slice %arg4[%dma_start3A_304, %dma_start3A_305] : memref<1000000x16xf32, #tpu.memory_space<hbm>> -> memref<1000000x16xf32, #tpu.memory_space<hbm>>
        %dma_start3A_307 = tpu.memref_slice %arg12[%rem3A_265] : memref<2x!tpu.dma_semaphore, #tpu.memory_space<semaphore_mem>> -> memref<1x!tpu.dma_semaphore, #tpu.memory_space<semaphore_mem>>
        %dma_start3A_308 = tpu.memref_squeeze %dma_start3A_307 : memref<1x!tpu.dma_semaphore, #tpu.memory_space<semaphore_mem>> -> memref<!tpu.dma_semaphore, #tpu.memory_space<semaphore_mem>>
        tpu.enqueue_indirect_dma source(%dma_start3A_306 : memref<1000000x16xf32, #tpu.memory_space<hbm>>) target(%dma_start3A_300 : memref<200x16xf32, #tpu.memory_space<vmem>>) offsets(%dma_start3A_303 : memref<200xi32, #tpu.memory_space<vmem>>) semaphore(%dma_start3A_308 : memref<!tpu.dma_semaphore, #tpu.memory_space<semaphore_mem>>)
        %dma_start3A_309 = arith.constant 1 : i32
        %dma_start3A_310 = arith.constant 1 : i32
        %dma_start3A_311 = arith.constant 0 : i32
        %dma_start3A_312 = tpu.memref_slice %arg9[%rem3A_265, %dma_start3A_310, %dma_start3A_311] : memref<2x4x200xf32, #tpu.memory_space<vmem>> -> memref<1x1x200xf32, #tpu.memory_space<vmem>>
        %dma_start3A_313 = tpu.memref_squeeze %dma_start3A_312 : memref<1x1x200xf32, #tpu.memory_space<vmem>> -> memref<200xf32, #tpu.memory_space<vmem>>
        %dma_start3A_314 = arith.constant 0 : i32
        %dma_start3A_315 = tpu.memref_slice %arg7[%rem3A_265, %dma_start3A_309, %dma_start3A_314] : memref<2x4x200xi32, #tpu.memory_space<vmem>> -> memref<1x1x200xi32, #tpu.memory_space<vmem>>
        %dma_start3A_316 = tpu.memref_squeeze %dma_start3A_315 : memref<1x1x200xi32, #tpu.memory_space<vmem>> -> memref<200xi32, #tpu.memory_space<vmem>>
        %dma_start3A_317 = arith.constant 0 : i32
        %dma_start3A_318 = tpu.memref_slice %arg5[%dma_start3A_317] : memref<1000000xf32, #tpu.memory_space<hbm>> -> memref<1000000xf32, #tpu.memory_space<hbm>>
        %dma_start3A_319 = tpu.memref_slice %arg13[%rem3A_265] : memref<2x!tpu.dma_semaphore, #tpu.memory_space<semaphore_mem>> -> memref<1x!tpu.dma_semaphore, #tpu.memory_space<semaphore_mem>>
        %dma_start3A_320 = tpu.memref_squeeze %dma_start3A_319 : memref<1x!tpu.dma_semaphore, #tpu.memory_space<semaphore_mem>> -> memref<!tpu.dma_semaphore, #tpu.memory_space<semaphore_mem>>
        tpu.enqueue_indirect_dma source(%dma_start3A_318 : memref<1000000xf32, #tpu.memory_space<hbm>>) target(%dma_start3A_313 : memref<200xf32, #tpu.memory_space<vmem>>) offsets(%dma_start3A_316 : memref<200xi32, #tpu.memory_space<vmem>>) semaphore(%dma_start3A_320 : memref<!tpu.dma_semaphore, #tpu.memory_space<semaphore_mem>>)
        %dma_start3A_321 = arith.constant 2 : i32
        %dma_start3A_322 = arith.constant 2 : i32
        %dma_start3A_323 = arith.constant 0 : i32
        %dma_start3A_324 = arith.constant 0 : i32
        %dma_start3A_325 = tpu.memref_slice %arg8[%rem3A_265, %dma_start3A_322, %dma_start3A_323, %dma_start3A_324] : memref<2x4x200x16xf32, #tpu.memory_space<vmem>> -> memref<1x1x200x16xf32, #tpu.memory_space<vmem>>
        %dma_start3A_326 = tpu.memref_squeeze %dma_start3A_325 : memref<1x1x200x16xf32, #tpu.memory_space<vmem>> -> memref<200x16xf32, #tpu.memory_space<vmem>>
        %dma_start3A_327 = arith.constant 0 : i32
        %dma_start3A_328 = tpu.memref_slice %arg7[%rem3A_265, %dma_start3A_321, %dma_start3A_327] : memref<2x4x200xi32, #tpu.memory_space<vmem>> -> memref<1x1x200xi32, #tpu.memory_space<vmem>>
        %dma_start3A_329 = tpu.memref_squeeze %dma_start3A_328 : memref<1x1x200xi32, #tpu.memory_space<vmem>> -> memref<200xi32, #tpu.memory_space<vmem>>
        %dma_start3A_330 = arith.constant 0 : i32
        %dma_start3A_331 = arith.constant 0 : i32
        %dma_start3A_332 = tpu.memref_slice %arg4[%dma_start3A_330, %dma_start3A_331] : memref<1000000x16xf32, #tpu.memory_space<hbm>> -> memref<1000000x16xf32, #tpu.memory_space<hbm>>
        %dma_start3A_333 = tpu.memref_slice %arg12[%rem3A_265] : memref<2x!tpu.dma_semaphore, #tpu.memory_space<semaphore_mem>> -> memref<1x!tpu.dma_semaphore, #tpu.memory_space<semaphore_mem>>
        %dma_start3A_334 = tpu.memref_squeeze %dma_start3A_333 : memref<1x!tpu.dma_semaphore, #tpu.memory_space<semaphore_mem>> -> memref<!tpu.dma_semaphore, #tpu.memory_space<semaphore_mem>>
        tpu.enqueue_indirect_dma source(%dma_start3A_332 : memref<1000000x16xf32, #tpu.memory_space<hbm>>) target(%dma_start3A_326 : memref<200x16xf32, #tpu.memory_space<vmem>>) offsets(%dma_start3A_329 : memref<200xi32, #tpu.memory_space<vmem>>) semaphore(%dma_start3A_334 : memref<!tpu.dma_semaphore, #tpu.memory_space<semaphore_mem>>)
        %dma_start3A_335 = arith.constant 2 : i32
        %dma_start3A_336 = arith.constant 2 : i32
        %dma_start3A_337 = arith.constant 0 : i32
        %dma_start3A_338 = tpu.memref_slice %arg9[%rem3A_265, %dma_start3A_336, %dma_start3A_337] : memref<2x4x200xf32, #tpu.memory_space<vmem>> -> memref<1x1x200xf32, #tpu.memory_space<vmem>>
        %dma_start3A_339 = tpu.memref_squeeze %dma_start3A_338 : memref<1x1x200xf32, #tpu.memory_space<vmem>> -> memref<200xf32, #tpu.memory_space<vmem>>
        %dma_start3A_340 = arith.constant 0 : i32
        %dma_start3A_341 = tpu.memref_slice %arg7[%rem3A_265, %dma_start3A_335, %dma_start3A_340] : memref<2x4x200xi32, #tpu.memory_space<vmem>> -> memref<1x1x200xi32, #tpu.memory_space<vmem>>
        %dma_start3A_342 = tpu.memref_squeeze %dma_start3A_341 : memref<1x1x200xi32, #tpu.memory_space<vmem>> -> memref<200xi32, #tpu.memory_space<vmem>>
        %dma_start3A_343 = arith.constant 0 : i32
        %dma_start3A_344 = tpu.memref_slice %arg5[%dma_start3A_343] : memref<1000000xf32, #tpu.memory_space<hbm>> -> memref<1000000xf32, #tpu.memory_space<hbm>>
        %dma_start3A_345 = tpu.memref_slice %arg13[%rem3A_265] : memref<2x!tpu.dma_semaphore, #tpu.memory_space<semaphore_mem>> -> memref<1x!tpu.dma_semaphore, #tpu.memory_space<semaphore_mem>>
        %dma_start3A_346 = tpu.memref_squeeze %dma_start3A_345 : memref<1x!tpu.dma_semaphore, #tpu.memory_space<semaphore_mem>> -> memref<!tpu.dma_semaphore, #tpu.memory_space<semaphore_mem>>
        tpu.enqueue_indirect_dma source(%dma_start3A_344 : memref<1000000xf32, #tpu.memory_space<hbm>>) target(%dma_start3A_339 : memref<200xf32, #tpu.memory_space<vmem>>) offsets(%dma_start3A_342 : memref<200xi32, #tpu.memory_space<vmem>>) semaphore(%dma_start3A_346 : memref<!tpu.dma_semaphore, #tpu.memory_space<semaphore_mem>>)
        %dma_start3A_347 = arith.constant 3 : i32
        %dma_start3A_348 = arith.constant 3 : i32
        %dma_start3A_349 = arith.constant 0 : i32
        %dma_start3A_350 = arith.constant 0 : i32
        %dma_start3A_351 = tpu.memref_slice %arg8[%rem3A_265, %dma_start3A_348, %dma_start3A_349, %dma_start3A_350] : memref<2x4x200x16xf32, #tpu.memory_space<vmem>> -> memref<1x1x200x16xf32, #tpu.memory_space<vmem>>
        %dma_start3A_352 = tpu.memref_squeeze %dma_start3A_351 : memref<1x1x200x16xf32, #tpu.memory_space<vmem>> -> memref<200x16xf32, #tpu.memory_space<vmem>>
        %dma_start3A_353 = arith.constant 0 : i32
        %dma_start3A_354 = tpu.memref_slice %arg7[%rem3A_265, %dma_start3A_347, %dma_start3A_353] : memref<2x4x200xi32, #tpu.memory_space<vmem>> -> memref<1x1x200xi32, #tpu.memory_space<vmem>>
        %dma_start3A_355 = tpu.memref_squeeze %dma_start3A_354 : memref<1x1x200xi32, #tpu.memory_space<vmem>> -> memref<200xi32, #tpu.memory_space<vmem>>
        %dma_start3A_356 = arith.constant 0 : i32
        %dma_start3A_357 = arith.constant 0 : i32
        %dma_start3A_358 = tpu.memref_slice %arg4[%dma_start3A_356, %dma_start3A_357] : memref<1000000x16xf32, #tpu.memory_space<hbm>> -> memref<1000000x16xf32, #tpu.memory_space<hbm>>
        %dma_start3A_359 = tpu.memref_slice %arg12[%rem3A_265] : memref<2x!tpu.dma_semaphore, #tpu.memory_space<semaphore_mem>> -> memref<1x!tpu.dma_semaphore, #tpu.memory_space<semaphore_mem>>
        %dma_start3A_360 = tpu.memref_squeeze %dma_start3A_359 : memref<1x!tpu.dma_semaphore, #tpu.memory_space<semaphore_mem>> -> memref<!tpu.dma_semaphore, #tpu.memory_space<semaphore_mem>>
        tpu.enqueue_indirect_dma source(%dma_start3A_358 : memref<1000000x16xf32, #tpu.memory_space<hbm>>) target(%dma_start3A_352 : memref<200x16xf32, #tpu.memory_space<vmem>>) offsets(%dma_start3A_355 : memref<200xi32, #tpu.memory_space<vmem>>) semaphore(%dma_start3A_360 : memref<!tpu.dma_semaphore, #tpu.memory_space<semaphore_mem>>)
        %dma_start3A_361 = arith.constant 3 : i32
        %dma_start3A_362 = arith.constant 3 : i32
        %dma_start3A_363 = arith.constant 0 : i32
        %dma_start3A_364 = tpu.memref_slice %arg9[%rem3A_265, %dma_start3A_362, %dma_start3A_363] : memref<2x4x200xf32, #tpu.memory_space<vmem>> -> memref<1x1x200xf32, #tpu.memory_space<vmem>>
        %dma_start3A_365 = tpu.memref_squeeze %dma_start3A_364 : memref<1x1x200xf32, #tpu.memory_space<vmem>> -> memref<200xf32, #tpu.memory_space<vmem>>
        %dma_start3A_366 = arith.constant 0 : i32
        %dma_start3A_367 = tpu.memref_slice %arg7[%rem3A_265, %dma_start3A_361, %dma_start3A_366] : memref<2x4x200xi32, #tpu.memory_space<vmem>> -> memref<1x1x200xi32, #tpu.memory_space<vmem>>
        %dma_start3A_368 = tpu.memref_squeeze %dma_start3A_367 : memref<1x1x200xi32, #tpu.memory_space<vmem>> -> memref<200xi32, #tpu.memory_space<vmem>>
        %dma_start3A_369 = arith.constant 0 : i32
        %dma_start3A_370 = tpu.memref_slice %arg5[%dma_start3A_369] : memref<1000000xf32, #tpu.memory_space<hbm>> -> memref<1000000xf32, #tpu.memory_space<hbm>>
        %dma_start3A_371 = tpu.memref_slice %arg13[%rem3A_265] : memref<2x!tpu.dma_semaphore, #tpu.memory_space<semaphore_mem>> -> memref<1x!tpu.dma_semaphore, #tpu.memory_space<semaphore_mem>>
        %dma_start3A_372 = tpu.memref_squeeze %dma_start3A_371 : memref<1x!tpu.dma_semaphore, #tpu.memory_space<semaphore_mem>> -> memref<!tpu.dma_semaphore, #tpu.memory_space<semaphore_mem>>
        tpu.enqueue_indirect_dma source(%dma_start3A_370 : memref<1000000xf32, #tpu.memory_space<hbm>>) target(%dma_start3A_365 : memref<200xf32, #tpu.memory_space<vmem>>) offsets(%dma_start3A_368 : memref<200xi32, #tpu.memory_space<vmem>>) semaphore(%dma_start3A_372 : memref<!tpu.dma_semaphore, #tpu.memory_space<semaphore_mem>>)
      } else {
      }
      %iota3A = tpu.iota {dimensions = array<i32: 0>} : vector<16xi32>
      %scan3A_247 = arith.constant 0 : i32
      %scan3A_248 = arith.constant 0 : i32
      %scan3A_249 = arith.constant 4 : i32
      %scan3A_250 = arith.addi %scan3A_248, %scan3A_249 : i32
      %scan3A_251 = arith.constant 1 : i32
      scf.for %scan3A_256 = %scan3A_248 to %scan3A_250 step %scan3A_251  : i32 {
        %mul3A_257 = arith.constant 4 : i32
        %mul3A_258 = arith.muli %scan3A_137, %mul3A_257 : i32
        %add3A_259 = arith.addi %mul3A_258, %scan3A_256 : i32
        %get3A = arith.index_cast %add3A_259 : i32 to index
        %get3A_260 = arith.constant 0 : index
        %get3A_261 = tpu.vector_load %arg11[%get3A, %get3A_260] {strides = array<i32>} : memref<128x16xf32, #tpu.memory_space<vmem>>, vector<16xf32>,
        %scan3A_262 = arith.constant 0 : i32
        %scan3A_263 = arith.constant 13 : i32
        %scan3A_264 = arith.addi %scan3A_262, %scan3A_263 : i32
        %scan3A_265 = arith.constant 1 : i32
        scf.for %scan3A_267 = %scan3A_262 to %scan3A_264 step %scan3A_265  : i32 {
          %mul3A_268 = arith.constant 16 : i32
          %mul3A_269 = arith.muli %scan3A_267, %mul3A_268 : i32
          %min3A = arith.constant 184 : i32
          %min3A_270 = arith.minsi %mul3A_269, %min3A : i32
          %broadcast_in_dim3A = arith.constant 0.000000e+00 : f32
          %broadcast_in_dim3A_271 = vector.broadcast %broadcast_in_dim3A : f32 to vector<16xf32>
          %add3A_272 = arith.constant 0 : i32
          %add3A_273 = arith.addi %min3A_270, %add3A_272 : i32
          %get3A_274 = arith.index_cast %rem3A_138 : i32 to index
          %get3A_275 = arith.index_cast %scan3A_256 : i32 to index
          %get3A_276 = arith.index_cast %add3A_273 : i32 to index
          %get3A_277 = arith.constant 0 : index
          %get3A_278 = tpu.vector_load %arg8[%get3A_274, %get3A_275, %get3A_276, %get3A_277] {strides = array<i32>} : memref<2x4x200x16xf32, #tpu.memory_space<vmem>>, vector<16xf32>,
          %abs3A = math.absf %get3A_278 : vector<16xf32>
          %mul3A_279 = arith.mulf %abs3A, %get3A_261 : vector<16xf32>
          %broadcast_in_dim3A_280 = arith.constant true
          %broadcast_in_dim3A_281 = vector.broadcast %broadcast_in_dim3A_280 : i1 to vector<16xi1>
          %masked_cumsum3A = tpu.scan <sum>, %mul3A_279 masked %broadcast_in_dim3A_281 : vector<16xf32>, vector<16xi1> -> vector<16xf32>
          %slice3A = vector.extract_strided_slice %masked_cumsum3A {offsets = [15], sizes = [1], strides = [1]} : vector<16xf32> to vector<1xf32>
          %squeeze3A = vector.extract %slice3A[0] : f32 from vector<1xf32>
          %eq3A = arith.constant 0 : i32
          %eq3A_282 = vector.broadcast %eq3A : i32 to vector<16xi32>
          %eq3A_283 = arith.cmpi eq, %iota3A, %eq3A_282 : vector<16xi32>
          %broadcast_in_dim3A_284 = vector.broadcast %squeeze3A : f32 to vector<16xf32>
          %select_n3A = arith.select %eq3A_283, %broadcast_in_dim3A_284, %broadcast_in_dim3A_271 : vector<16xi1>, vector<16xf32>
          %add3A_285 = arith.constant 1 : i32
          %add3A_286 = arith.addi %min3A_270, %add3A_285 : i32
          %get3A_287 = arith.index_cast %rem3A_138 : i32 to index
          %get3A_288 = arith.index_cast %scan3A_256 : i32 to index
          %get3A_289 = arith.index_cast %add3A_286 : i32 to index
          %get3A_290 = arith.constant 0 : index
          %get3A_291 = tpu.vector_load %arg8[%get3A_287, %get3A_288, %get3A_289, %get3A_290] {strides = array<i32>} : memref<2x4x200x16xf32, #tpu.memory_space<vmem>>, vector<16xf32>,
          %abs3A_292 = math.absf %get3A_291 : vector<16xf32>
          %mul3A_293 = arith.mulf %abs3A_292, %get3A_261 : vector<16xf32>
          %broadcast_in_dim3A_294 = arith.constant true
          %broadcast_in_dim3A_295 = vector.broadcast %broadcast_in_dim3A_294 : i1 to vector<16xi1>
          %masked_cumsum3A_296 = tpu.scan <sum>, %mul3A_293 masked %broadcast_in_dim3A_295 : vector<16xf32>, vector<16xi1> -> vector<16xf32>
          %slice3A_297 = vector.extract_strided_slice %masked_cumsum3A_296 {offsets = [15], sizes = [1], strides = [1]} : vector<16xf32> to vector<1xf32>
          %squeeze3A_298 = vector.extract %slice3A_297[0] : f32 from vector<1xf32>
          %eq3A_299 = arith.constant 1 : i32
          %eq3A_300 = vector.broadcast %eq3A_299 : i32 to vector<16xi32>
          %eq3A_301 = arith.cmpi eq, %iota3A, %eq3A_300 : vector<16xi32>
          %broadcast_in_dim3A_302 = vector.broadcast %squeeze3A_298 : f32 to vector<16xf32>
          %select_n3A_303 = arith.select %eq3A_301, %broadcast_in_dim3A_302, %select_n3A : vector<16xi1>, vector<16xf32>
          %add3A_304 = arith.constant 2 : i32
          %add3A_305 = arith.addi %min3A_270, %add3A_304 : i32
          %get3A_306 = arith.index_cast %rem3A_138 : i32 to index
          %get3A_307 = arith.index_cast %scan3A_256 : i32 to index
          %get3A_308 = arith.index_cast %add3A_305 : i32 to index
          %get3A_309 = arith.constant 0 : index
          %get3A_310 = tpu.vector_load %arg8[%get3A_306, %get3A_307, %get3A_308, %get3A_309] {strides = array<i32>} : memref<2x4x200x16xf32, #tpu.memory_space<vmem>>, vector<16xf32>,
          %abs3A_311 = math.absf %get3A_310 : vector<16xf32>
          %mul3A_312 = arith.mulf %abs3A_311, %get3A_261 : vector<16xf32>
          %broadcast_in_dim3A_313 = arith.constant true
          %broadcast_in_dim3A_314 = vector.broadcast %broadcast_in_dim3A_313 : i1 to vector<16xi1>
          %masked_cumsum3A_315 = tpu.scan <sum>, %mul3A_312 masked %broadcast_in_dim3A_314 : vector<16xf32>, vector<16xi1> -> vector<16xf32>
          %slice3A_316 = vector.extract_strided_slice %masked_cumsum3A_315 {offsets = [15], sizes = [1], strides = [1]} : vector<16xf32> to vector<1xf32>
          %squeeze3A_317 = vector.extract %slice3A_316[0] : f32 from vector<1xf32>
          %eq3A_318 = arith.constant 2 : i32
          %eq3A_319 = vector.broadcast %eq3A_318 : i32 to vector<16xi32>
          %eq3A_320 = arith.cmpi eq, %iota3A, %eq3A_319 : vector<16xi32>
          %broadcast_in_dim3A_321 = vector.broadcast %squeeze3A_317 : f32 to vector<16xf32>
          %select_n3A_322 = arith.select %eq3A_320, %broadcast_in_dim3A_321, %select_n3A_303 : vector<16xi1>, vector<16xf32>
          %add3A_323 = arith.constant 3 : i32
          %add3A_324 = arith.addi %min3A_270, %add3A_323 : i32
          %get3A_325 = arith.index_cast %rem3A_138 : i32 to index
          %get3A_326 = arith.index_cast %scan3A_256 : i32 to index
          %get3A_327 = arith.index_cast %add3A_324 : i32 to index
          %get3A_328 = arith.constant 0 : index
          %get3A_329 = tpu.vector_load %arg8[%get3A_325, %get3A_326, %get3A_327, %get3A_328] {strides = array<i32>} : memref<2x4x200x16xf32, #tpu.memory_space<vmem>>, vector<16xf32>,
          %abs3A_330 = math.absf %get3A_329 : vector<16xf32>
          %mul3A_331 = arith.mulf %abs3A_330, %get3A_261 : vector<16xf32>
          %broadcast_in_dim3A_332 = arith.constant true
          %broadcast_in_dim3A_333 = vector.broadcast %broadcast_in_dim3A_332 : i1 to vector<16xi1>
          %masked_cumsum3A_334 = tpu.scan <sum>, %mul3A_331 masked %broadcast_in_dim3A_333 : vector<16xf32>, vector<16xi1> -> vector<16xf32>
          %slice3A_335 = vector.extract_strided_slice %masked_cumsum3A_334 {offsets = [15], sizes = [1], strides = [1]} : vector<16xf32> to vector<1xf32>
          %squeeze3A_336 = vector.extract %slice3A_335[0] : f32 from vector<1xf32>
          %eq3A_337 = arith.constant 3 : i32
          %eq3A_338 = vector.broadcast %eq3A_337 : i32 to vector<16xi32>
          %eq3A_339 = arith.cmpi eq, %iota3A, %eq3A_338 : vector<16xi32>
          %broadcast_in_dim3A_340 = vector.broadcast %squeeze3A_336 : f32 to vector<16xf32>
          %select_n3A_341 = arith.select %eq3A_339, %broadcast_in_dim3A_340, %select_n3A_322 : vector<16xi1>, vector<16xf32>
          %add3A_342 = arith.constant 4 : i32
          %add3A_343 = arith.addi %min3A_270, %add3A_342 : i32
          %get3A_344 = arith.index_cast %rem3A_138 : i32 to index
          %get3A_345 = arith.index_cast %scan3A_256 : i32 to index
          %get3A_346 = arith.index_cast %add3A_343 : i32 to index
          %get3A_347 = arith.constant 0 : index
          %get3A_348 = tpu.vector_load %arg8[%get3A_344, %get3A_345, %get3A_346, %get3A_347] {strides = array<i32>} : memref<2x4x200x16xf32, #tpu.memory_space<vmem>>, vector<16xf32>,
          %abs3A_349 = math.absf %get3A_348 : vector<16xf32>
          %mul3A_350 = arith.mulf %abs3A_349, %get3A_261 : vector<16xf32>
          %broadcast_in_dim3A_351 = arith.constant true
          %broadcast_in_dim3A_352 = vector.broadcast %broadcast_in_dim3A_351 : i1 to vector<16xi1>
          %masked_cumsum3A_353 = tpu.scan <sum>, %mul3A_350 masked %broadcast_in_dim3A_352 : vector<16xf32>, vector<16xi1> -> vector<16xf32>
          %slice3A_354 = vector.extract_strided_slice %masked_cumsum3A_353 {offsets = [15], sizes = [1], strides = [1]} : vector<16xf32> to vector<1xf32>
          %squeeze3A_355 = vector.extract %slice3A_354[0] : f32 from vector<1xf32>
          %eq3A_356 = arith.constant 4 : i32
          %eq3A_357 = vector.broadcast %eq3A_356 : i32 to vector<16xi32>
          %eq3A_358 = arith.cmpi eq, %iota3A, %eq3A_357 : vector<16xi32>
          %broadcast_in_dim3A_359 = vector.broadcast %squeeze3A_355 : f32 to vector<16xf32>
          %select_n3A_360 = arith.select %eq3A_358, %broadcast_in_dim3A_359, %select_n3A_341 : vector<16xi1>, vector<16xf32>
          %add3A_361 = arith.constant 5 : i32
          %add3A_362 = arith.addi %min3A_270, %add3A_361 : i32
          %get3A_363 = arith.index_cast %rem3A_138 : i32 to index
          %get3A_364 = arith.index_cast %scan3A_256 : i32 to index
          %get3A_365 = arith.index_cast %add3A_362 : i32 to index
          %get3A_366 = arith.constant 0 : index
          %get3A_367 = tpu.vector_load %arg8[%get3A_363, %get3A_364, %get3A_365, %get3A_366] {strides = array<i32>} : memref<2x4x200x16xf32, #tpu.memory_space<vmem>>, vector<16xf32>,
          %abs3A_368 = math.absf %get3A_367 : vector<16xf32>
          %mul3A_369 = arith.mulf %abs3A_368, %get3A_261 : vector<16xf32>
          %broadcast_in_dim3A_370 = arith.constant true
          %broadcast_in_dim3A_371 = vector.broadcast %broadcast_in_dim3A_370 : i1 to vector<16xi1>
          %masked_cumsum3A_372 = tpu.scan <sum>, %mul3A_369 masked %broadcast_in_dim3A_371 : vector<16xf32>, vector<16xi1> -> vector<16xf32>
          %slice3A_373 = vector.extract_strided_slice %masked_cumsum3A_372 {offsets = [15], sizes = [1], strides = [1]} : vector<16xf32> to vector<1xf32>
          %squeeze3A_374 = vector.extract %slice3A_373[0] : f32 from vector<1xf32>
          %eq3A_375 = arith.constant 5 : i32
          %eq3A_376 = vector.broadcast %eq3A_375 : i32 to vector<16xi32>
          %eq3A_377 = arith.cmpi eq, %iota3A, %eq3A_376 : vector<16xi32>
          %broadcast_in_dim3A_378 = vector.broadcast %squeeze3A_374 : f32 to vector<16xf32>
          %select_n3A_379 = arith.select %eq3A_377, %broadcast_in_dim3A_378, %select_n3A_360 : vector<16xi1>, vector<16xf32>
          %add3A_380 = arith.constant 6 : i32
          %add3A_381 = arith.addi %min3A_270, %add3A_380 : i32
          %get3A_382 = arith.index_cast %rem3A_138 : i32 to index
          %get3A_383 = arith.index_cast %scan3A_256 : i32 to index
          %get3A_384 = arith.index_cast %add3A_381 : i32 to index
          %get3A_385 = arith.constant 0 : index
          %get3A_386 = tpu.vector_load %arg8[%get3A_382, %get3A_383, %get3A_384, %get3A_385] {strides = array<i32>} : memref<2x4x200x16xf32, #tpu.memory_space<vmem>>, vector<16xf32>,
          %abs3A_387 = math.absf %get3A_386 : vector<16xf32>
          %mul3A_388 = arith.mulf %abs3A_387, %get3A_261 : vector<16xf32>
          %broadcast_in_dim3A_389 = arith.constant true
          %broadcast_in_dim3A_390 = vector.broadcast %broadcast_in_dim3A_389 : i1 to vector<16xi1>
          %masked_cumsum3A_391 = tpu.scan <sum>, %mul3A_388 masked %broadcast_in_dim3A_390 : vector<16xf32>, vector<16xi1> -> vector<16xf32>
          %slice3A_392 = vector.extract_strided_slice %masked_cumsum3A_391 {offsets = [15], sizes = [1], strides = [1]} : vector<16xf32> to vector<1xf32>
          %squeeze3A_393 = vector.extract %slice3A_392[0] : f32 from vector<1xf32>
          %eq3A_394 = arith.constant 6 : i32
          %eq3A_395 = vector.broadcast %eq3A_394 : i32 to vector<16xi32>
          %eq3A_396 = arith.cmpi eq, %iota3A, %eq3A_395 : vector<16xi32>
          %broadcast_in_dim3A_397 = vector.broadcast %squeeze3A_393 : f32 to vector<16xf32>
          %select_n3A_398 = arith.select %eq3A_396, %broadcast_in_dim3A_397, %select_n3A_379 : vector<16xi1>, vector<16xf32>
          %add3A_399 = arith.constant 7 : i32
          %add3A_400 = arith.addi %min3A_270, %add3A_399 : i32
          %get3A_401 = arith.index_cast %rem3A_138 : i32 to index
          %get3A_402 = arith.index_cast %scan3A_256 : i32 to index
          %get3A_403 = arith.index_cast %add3A_400 : i32 to index
          %get3A_404 = arith.constant 0 : index
          %get3A_405 = tpu.vector_load %arg8[%get3A_401, %get3A_402, %get3A_403, %get3A_404] {strides = array<i32>} : memref<2x4x200x16xf32, #tpu.memory_space<vmem>>, vector<16xf32>,
          %abs3A_406 = math.absf %get3A_405 : vector<16xf32>
          %mul3A_407 = arith.mulf %abs3A_406, %get3A_261 : vector<16xf32>
          %broadcast_in_dim3A_408 = arith.constant true
          %broadcast_in_dim3A_409 = vector.broadcast %broadcast_in_dim3A_408 : i1 to vector<16xi1>
          %masked_cumsum3A_410 = tpu.scan <sum>, %mul3A_407 masked %broadcast_in_dim3A_409 : vector<16xf32>, vector<16xi1> -> vector<16xf32>
          %slice3A_411 = vector.extract_strided_slice %masked_cumsum3A_410 {offsets = [15], sizes = [1], strides = [1]} : vector<16xf32> to vector<1xf32>
          %squeeze3A_412 = vector.extract %slice3A_411[0] : f32 from vector<1xf32>
          %eq3A_413 = arith.constant 7 : i32
          %eq3A_414 = vector.broadcast %eq3A_413 : i32 to vector<16xi32>
          %eq3A_415 = arith.cmpi eq, %iota3A, %eq3A_414 : vector<16xi32>
          %broadcast_in_dim3A_416 = vector.broadcast %squeeze3A_412 : f32 to vector<16xf32>
          %select_n3A_417 = arith.select %eq3A_415, %broadcast_in_dim3A_416, %select_n3A_398 : vector<16xi1>, vector<16xf32>
          %add3A_418 = arith.constant 8 : i32
          %add3A_419 = arith.addi %min3A_270, %add3A_418 : i32
          %get3A_420 = arith.index_cast %rem3A_138 : i32 to index
          %get3A_421 = arith.index_cast %scan3A_256 : i32 to index
          %get3A_422 = arith.index_cast %add3A_419 : i32 to index
          %get3A_423 = arith.constant 0 : index
          %get3A_424 = tpu.vector_load %arg8[%get3A_420, %get3A_421, %get3A_422, %get3A_423] {strides = array<i32>} : memref<2x4x200x16xf32, #tpu.memory_space<vmem>>, vector<16xf32>,
          %abs3A_425 = math.absf %get3A_424 : vector<16xf32>
          %mul3A_426 = arith.mulf %abs3A_425, %get3A_261 : vector<16xf32>
          %broadcast_in_dim3A_427 = arith.constant true
          %broadcast_in_dim3A_428 = vector.broadcast %broadcast_in_dim3A_427 : i1 to vector<16xi1>
          %masked_cumsum3A_429 = tpu.scan <sum>, %mul3A_426 masked %broadcast_in_dim3A_428 : vector<16xf32>, vector<16xi1> -> vector<16xf32>
          %slice3A_430 = vector.extract_strided_slice %masked_cumsum3A_429 {offsets = [15], sizes = [1], strides = [1]} : vector<16xf32> to vector<1xf32>
          %squeeze3A_431 = vector.extract %slice3A_430[0] : f32 from vector<1xf32>
          %eq3A_432 = arith.constant 8 : i32
          %eq3A_433 = vector.broadcast %eq3A_432 : i32 to vector<16xi32>
          %eq3A_434 = arith.cmpi eq, %iota3A, %eq3A_433 : vector<16xi32>
          %broadcast_in_dim3A_435 = vector.broadcast %squeeze3A_431 : f32 to vector<16xf32>
          %select_n3A_436 = arith.select %eq3A_434, %broadcast_in_dim3A_435, %select_n3A_417 : vector<16xi1>, vector<16xf32>
          %add3A_437 = arith.constant 9 : i32
          %add3A_438 = arith.addi %min3A_270, %add3A_437 : i32
          %get3A_439 = arith.index_cast %rem3A_138 : i32 to index
          %get3A_440 = arith.index_cast %scan3A_256 : i32 to index
          %get3A_441 = arith.index_cast %add3A_438 : i32 to index
          %get3A_442 = arith.constant 0 : index
          %get3A_443 = tpu.vector_load %arg8[%get3A_439, %get3A_440, %get3A_441, %get3A_442] {strides = array<i32>} : memref<2x4x200x16xf32, #tpu.memory_space<vmem>>, vector<16xf32>,
          %abs3A_444 = math.absf %get3A_443 : vector<16xf32>
          %mul3A_445 = arith.mulf %abs3A_444, %get3A_261 : vector<16xf32>
          %broadcast_in_dim3A_446 = arith.constant true
          %broadcast_in_dim3A_447 = vector.broadcast %broadcast_in_dim3A_446 : i1 to vector<16xi1>
          %masked_cumsum3A_448 = tpu.scan <sum>, %mul3A_445 masked %broadcast_in_dim3A_447 : vector<16xf32>, vector<16xi1> -> vector<16xf32>
          %slice3A_449 = vector.extract_strided_slice %masked_cumsum3A_448 {offsets = [15], sizes = [1], strides = [1]} : vector<16xf32> to vector<1xf32>
          %squeeze3A_450 = vector.extract %slice3A_449[0] : f32 from vector<1xf32>
          %eq3A_451 = arith.constant 9 : i32
          %eq3A_452 = vector.broadcast %eq3A_451 : i32 to vector<16xi32>
          %eq3A_453 = arith.cmpi eq, %iota3A, %eq3A_452 : vector<16xi32>
          %broadcast_in_dim3A_454 = vector.broadcast %squeeze3A_450 : f32 to vector<16xf32>
          %select_n3A_455 = arith.select %eq3A_453, %broadcast_in_dim3A_454, %select_n3A_436 : vector<16xi1>, vector<16xf32>
          %add3A_456 = arith.constant 10 : i32
          %add3A_457 = arith.addi %min3A_270, %add3A_456 : i32
          %get3A_458 = arith.index_cast %rem3A_138 : i32 to index
          %get3A_459 = arith.index_cast %scan3A_256 : i32 to index
          %get3A_460 = arith.index_cast %add3A_457 : i32 to index
          %get3A_461 = arith.constant 0 : index
          %get3A_462 = tpu.vector_load %arg8[%get3A_458, %get3A_459, %get3A_460, %get3A_461] {strides = array<i32>} : memref<2x4x200x16xf32, #tpu.memory_space<vmem>>, vector<16xf32>,
          %abs3A_463 = math.absf %get3A_462 : vector<16xf32>
          %mul3A_464 = arith.mulf %abs3A_463, %get3A_261 : vector<16xf32>
          %broadcast_in_dim3A_465 = arith.constant true
          %broadcast_in_dim3A_466 = vector.broadcast %broadcast_in_dim3A_465 : i1 to vector<16xi1>
          %masked_cumsum3A_467 = tpu.scan <sum>, %mul3A_464 masked %broadcast_in_dim3A_466 : vector<16xf32>, vector<16xi1> -> vector<16xf32>
          %slice3A_468 = vector.extract_strided_slice %masked_cumsum3A_467 {offsets = [15], sizes = [1], strides = [1]} : vector<16xf32> to vector<1xf32>
          %squeeze3A_469 = vector.extract %slice3A_468[0] : f32 from vector<1xf32>
          %eq3A_470 = arith.constant 10 : i32
          %eq3A_471 = vector.broadcast %eq3A_470 : i32 to vector<16xi32>
          %eq3A_472 = arith.cmpi eq, %iota3A, %eq3A_471 : vector<16xi32>
          %broadcast_in_dim3A_473 = vector.broadcast %squeeze3A_469 : f32 to vector<16xf32>
          %select_n3A_474 = arith.select %eq3A_472, %broadcast_in_dim3A_473, %select_n3A_455 : vector<16xi1>, vector<16xf32>
          %add3A_475 = arith.constant 11 : i32
          %add3A_476 = arith.addi %min3A_270, %add3A_475 : i32
          %get3A_477 = arith.index_cast %rem3A_138 : i32 to index
          %get3A_478 = arith.index_cast %scan3A_256 : i32 to index
          %get3A_479 = arith.index_cast %add3A_476 : i32 to index
          %get3A_480 = arith.constant 0 : index
          %get3A_481 = tpu.vector_load %arg8[%get3A_477, %get3A_478, %get3A_479, %get3A_480] {strides = array<i32>} : memref<2x4x200x16xf32, #tpu.memory_space<vmem>>, vector<16xf32>,
          %abs3A_482 = math.absf %get3A_481 : vector<16xf32>
          %mul3A_483 = arith.mulf %abs3A_482, %get3A_261 : vector<16xf32>
          %broadcast_in_dim3A_484 = arith.constant true
          %broadcast_in_dim3A_485 = vector.broadcast %broadcast_in_dim3A_484 : i1 to vector<16xi1>
          %masked_cumsum3A_486 = tpu.scan <sum>, %mul3A_483 masked %broadcast_in_dim3A_485 : vector<16xf32>, vector<16xi1> -> vector<16xf32>
          %slice3A_487 = vector.extract_strided_slice %masked_cumsum3A_486 {offsets = [15], sizes = [1], strides = [1]} : vector<16xf32> to vector<1xf32>
          %squeeze3A_488 = vector.extract %slice3A_487[0] : f32 from vector<1xf32>
          %eq3A_489 = arith.constant 11 : i32
          %eq3A_490 = vector.broadcast %eq3A_489 : i32 to vector<16xi32>
          %eq3A_491 = arith.cmpi eq, %iota3A, %eq3A_490 : vector<16xi32>
          %broadcast_in_dim3A_492 = vector.broadcast %squeeze3A_488 : f32 to vector<16xf32>
          %select_n3A_493 = arith.select %eq3A_491, %broadcast_in_dim3A_492, %select_n3A_474 : vector<16xi1>, vector<16xf32>
          %add3A_494 = arith.constant 12 : i32
          %add3A_495 = arith.addi %min3A_270, %add3A_494 : i32
          %get3A_496 = arith.index_cast %rem3A_138 : i32 to index
          %get3A_497 = arith.index_cast %scan3A_256 : i32 to index
          %get3A_498 = arith.index_cast %add3A_495 : i32 to index
          %get3A_499 = arith.constant 0 : index
          %get3A_500 = tpu.vector_load %arg8[%get3A_496, %get3A_497, %get3A_498, %get3A_499] {strides = array<i32>} : memref<2x4x200x16xf32, #tpu.memory_space<vmem>>, vector<16xf32>,
          %abs3A_501 = math.absf %get3A_500 : vector<16xf32>
          %mul3A_502 = arith.mulf %abs3A_501, %get3A_261 : vector<16xf32>
          %broadcast_in_dim3A_503 = arith.constant true
          %broadcast_in_dim3A_504 = vector.broadcast %broadcast_in_dim3A_503 : i1 to vector<16xi1>
          %masked_cumsum3A_505 = tpu.scan <sum>, %mul3A_502 masked %broadcast_in_dim3A_504 : vector<16xf32>, vector<16xi1> -> vector<16xf32>
          %slice3A_506 = vector.extract_strided_slice %masked_cumsum3A_505 {offsets = [15], sizes = [1], strides = [1]} : vector<16xf32> to vector<1xf32>
          %squeeze3A_507 = vector.extract %slice3A_506[0] : f32 from vector<1xf32>
          %eq3A_508 = arith.constant 12 : i32
          %eq3A_509 = vector.broadcast %eq3A_508 : i32 to vector<16xi32>
          %eq3A_510 = arith.cmpi eq, %iota3A, %eq3A_509 : vector<16xi32>
          %broadcast_in_dim3A_511 = vector.broadcast %squeeze3A_507 : f32 to vector<16xf32>
          %select_n3A_512 = arith.select %eq3A_510, %broadcast_in_dim3A_511, %select_n3A_493 : vector<16xi1>, vector<16xf32>
          %add3A_513 = arith.constant 13 : i32
          %add3A_514 = arith.addi %min3A_270, %add3A_513 : i32
          %get3A_515 = arith.index_cast %rem3A_138 : i32 to index
          %get3A_516 = arith.index_cast %scan3A_256 : i32 to index
          %get3A_517 = arith.index_cast %add3A_514 : i32 to index
          %get3A_518 = arith.constant 0 : index
          %get3A_519 = tpu.vector_load %arg8[%get3A_515, %get3A_516, %get3A_517, %get3A_518] {strides = array<i32>} : memref<2x4x200x16xf32, #tpu.memory_space<vmem>>, vector<16xf32>,
          %abs3A_520 = math.absf %get3A_519 : vector<16xf32>
          %mul3A_521 = arith.mulf %abs3A_520, %get3A_261 : vector<16xf32>
          %broadcast_in_dim3A_522 = arith.constant true
          %broadcast_in_dim3A_523 = vector.broadcast %broadcast_in_dim3A_522 : i1 to vector<16xi1>
          %masked_cumsum3A_524 = tpu.scan <sum>, %mul3A_521 masked %broadcast_in_dim3A_523 : vector<16xf32>, vector<16xi1> -> vector<16xf32>
          %slice3A_525 = vector.extract_strided_slice %masked_cumsum3A_524 {offsets = [15], sizes = [1], strides = [1]} : vector<16xf32> to vector<1xf32>
          %squeeze3A_526 = vector.extract %slice3A_525[0] : f32 from vector<1xf32>
          %eq3A_527 = arith.constant 13 : i32
          %eq3A_528 = vector.broadcast %eq3A_527 : i32 to vector<16xi32>
          %eq3A_529 = arith.cmpi eq, %iota3A, %eq3A_528 : vector<16xi32>
          %broadcast_in_dim3A_530 = vector.broadcast %squeeze3A_526 : f32 to vector<16xf32>
          %select_n3A_531 = arith.select %eq3A_529, %broadcast_in_dim3A_530, %select_n3A_512 : vector<16xi1>, vector<16xf32>
          %add3A_532 = arith.constant 14 : i32
          %add3A_533 = arith.addi %min3A_270, %add3A_532 : i32
          %get3A_534 = arith.index_cast %rem3A_138 : i32 to index
          %get3A_535 = arith.index_cast %scan3A_256 : i32 to index
          %get3A_536 = arith.index_cast %add3A_533 : i32 to index
          %get3A_537 = arith.constant 0 : index
          %get3A_538 = tpu.vector_load %arg8[%get3A_534, %get3A_535, %get3A_536, %get3A_537] {strides = array<i32>} : memref<2x4x200x16xf32, #tpu.memory_space<vmem>>, vector<16xf32>,
          %abs3A_539 = math.absf %get3A_538 : vector<16xf32>
          %mul3A_540 = arith.mulf %abs3A_539, %get3A_261 : vector<16xf32>
          %broadcast_in_dim3A_541 = arith.constant true
          %broadcast_in_dim3A_542 = vector.broadcast %broadcast_in_dim3A_541 : i1 to vector<16xi1>
          %masked_cumsum3A_543 = tpu.scan <sum>, %mul3A_540 masked %broadcast_in_dim3A_542 : vector<16xf32>, vector<16xi1> -> vector<16xf32>
          %slice3A_544 = vector.extract_strided_slice %masked_cumsum3A_543 {offsets = [15], sizes = [1], strides = [1]} : vector<16xf32> to vector<1xf32>
          %squeeze3A_545 = vector.extract %slice3A_544[0] : f32 from vector<1xf32>
          %eq3A_546 = arith.constant 14 : i32
          %eq3A_547 = vector.broadcast %eq3A_546 : i32 to vector<16xi32>
          %eq3A_548 = arith.cmpi eq, %iota3A, %eq3A_547 : vector<16xi32>
          %broadcast_in_dim3A_549 = vector.broadcast %squeeze3A_545 : f32 to vector<16xf32>
          %select_n3A_550 = arith.select %eq3A_548, %broadcast_in_dim3A_549, %select_n3A_531 : vector<16xi1>, vector<16xf32>
          %add3A_551 = arith.constant 15 : i32
          %add3A_552 = arith.addi %min3A_270, %add3A_551 : i32
          %get3A_553 = arith.index_cast %rem3A_138 : i32 to index
          %get3A_554 = arith.index_cast %scan3A_256 : i32 to index
          %get3A_555 = arith.index_cast %add3A_552 : i32 to index
          %get3A_556 = arith.constant 0 : index
          %get3A_557 = tpu.vector_load %arg8[%get3A_553, %get3A_554, %get3A_555, %get3A_556] {strides = array<i32>} : memref<2x4x200x16xf32, #tpu.memory_space<vmem>>, vector<16xf32>,
          %abs3A_558 = math.absf %get3A_557 : vector<16xf32>
          %mul3A_559 = arith.mulf %abs3A_558, %get3A_261 : vector<16xf32>
          %broadcast_in_dim3A_560 = arith.constant true
          %broadcast_in_dim3A_561 = vector.broadcast %broadcast_in_dim3A_560 : i1 to vector<16xi1>
          %masked_cumsum3A_562 = tpu.scan <sum>, %mul3A_559 masked %broadcast_in_dim3A_561 : vector<16xf32>, vector<16xi1> -> vector<16xf32>
          %slice3A_563 = vector.extract_strided_slice %masked_cumsum3A_562 {offsets = [15], sizes = [1], strides = [1]} : vector<16xf32> to vector<1xf32>
          %squeeze3A_564 = vector.extract %slice3A_563[0] : f32 from vector<1xf32>
          %eq3A_565 = arith.constant 15 : i32
          %eq3A_566 = vector.broadcast %eq3A_565 : i32 to vector<16xi32>
          %eq3A_567 = arith.cmpi eq, %iota3A, %eq3A_566 : vector<16xi32>
          %broadcast_in_dim3A_568 = vector.broadcast %squeeze3A_564 : f32 to vector<16xf32>
          %select_n3A_569 = arith.select %eq3A_567, %broadcast_in_dim3A_568, %select_n3A_550 : vector<16xi1>, vector<16xf32>
          %get3A_570 = arith.index_cast %rem3A_138 : i32 to index
          %get3A_571 = arith.index_cast %scan3A_256 : i32 to index
          %get3A_572 = arith.index_cast %min3A_270 : i32 to index
          %get3A_573 = tpu.vector_load %arg9[%get3A_570, %get3A_571, %get3A_572] {strides = array<i32>} : memref<2x4x200xf32, #tpu.memory_space<vmem>>, vector<16xf32>,
          %sub3A_574 = arith.subf %select_n3A_569, %get3A_573 : vector<16xf32>
          %neg3A = arith.constant 0.000000e+00 : f32
          %neg3A_575 = vector.broadcast %neg3A : f32 to vector<16xf32>
          %neg3A_576 = arith.subf %neg3A_575, %sub3A_574 : vector<16xf32>
          %exp3A = math.exp %neg3A_576 : vector<16xf32>
          %add3A_577 = arith.constant 1.000000e+00 : f32
          %add3A_578 = vector.broadcast %add3A_577 : f32 to vector<16xf32>
          %add3A_579 = arith.addf %add3A_578, %exp3A : vector<16xf32>
          %div3A = arith.constant 1.000000e+00 : f32
          %div3A_580 = vector.broadcast %div3A : f32 to vector<16xf32>
          %div3A_581 = arith.divf %div3A_580, %add3A_579 : vector<16xf32>
          %swap3A = arith.index_cast %rem3A_138 : i32 to index
          %swap3A_582 = arith.index_cast %scan3A_256 : i32 to index
          %swap3A_583 = arith.index_cast %min3A_270 : i32 to index
          %swap3A_584 = tpu.vector_load %arg10[%swap3A, %swap3A_582, %swap3A_583] {strides = array<i32>} : memref<2x4x200xf32, #tpu.memory_space<vmem>>, vector<16xf32>,
          tpu.vector_store %arg10[%swap3A, %swap3A_582, %swap3A_583], %div3A_581 {strides = array<i32>} : memref<2x4x200xf32, #tpu.memory_space<vmem>>, vector<16xf32>,
        }
        %scan3A_266 = arith.constant 13 : i32
      }
      %scan3A_252 = arith.constant 4 : i32
      %mul3A_253 = arith.constant 4 : i32
      %mul3A_254 = arith.muli %scan3A_137, %mul3A_253 : i32
      %add3A_255 = arith.addi %mul3A_2, %mul3A_254 : i32
      "tpu.region"() ({
        %run_scoped3A_256 = tpu.sem_alloc : memref<!tpu.dma_semaphore, #tpu.memory_space<semaphore_mem>>
        %dma_start3A_257 = arith.constant 0 : i32
        %dma_start3A_258 = arith.constant 0 : i32
        %dma_start3A_259 = tpu.memref_slice %arg10[%rem3A_138, %dma_start3A_257, %dma_start3A_258] : memref<2x4x200xf32, #tpu.memory_space<vmem>> -> memref<1x4x200xf32, #tpu.memory_space<vmem>>
        %dma_start3A_260 = tpu.memref_squeeze %dma_start3A_259 : memref<1x4x200xf32, #tpu.memory_space<vmem>> -> memref<4x200xf32, #tpu.memory_space<vmem>>
        %dma_start3A_261 = arith.constant 0 : i32
        %dma_start3A_262 = tpu.memref_slice %arg6[%add3A_255, %dma_start3A_261] : memref<4096x200xf32, #tpu.memory_space<hbm>> -> memref<4x200xf32, #tpu.memory_space<hbm>>
        %dma_start3A_263 = arith.constant 0 : i32
        %dma_start3A_264 = tpu.memref_slice %arg6[%add3A_255, %dma_start3A_263] : memref<4096x200xf32, #tpu.memory_space<hbm>> -> memref<4x200xf32, #tpu.memory_space<hbm>>
        %dma_start3A_265 = arith.constant 0 : i32
        %dma_start3A_266 = arith.constant 0 : i32
        %dma_start3A_267 = tpu.memref_slice %arg10[%rem3A_138, %dma_start3A_265, %dma_start3A_266] : memref<2x4x200xf32, #tpu.memory_space<vmem>> -> memref<1x4x200xf32, #tpu.memory_space<vmem>>
        %dma_start3A_268 = tpu.memref_squeeze %dma_start3A_267 : memref<1x4x200xf32, #tpu.memory_space<vmem>> -> memref<4x200xf32, #tpu.memory_space<vmem>>
        tpu.enqueue_dma source(%dma_start3A_268 : memref<4x200xf32, #tpu.memory_space<vmem>>) target(%dma_start3A_264 : memref<4x200xf32, #tpu.memory_space<hbm>>) target_semaphore(%run_scoped3A_256 : memref<!tpu.dma_semaphore, #tpu.memory_space<semaphore_mem>>)
        %dma_wait3A_269 = arith.constant 0 : i32
        %dma_wait3A_270 = arith.constant 0 : i32
        %dma_wait3A_271 = tpu.memref_slice %arg10[%rem3A_138, %dma_wait3A_269, %dma_wait3A_270] : memref<2x4x200xf32, #tpu.memory_space<vmem>> -> memref<1x4x200xf32, #tpu.memory_space<vmem>>
        %dma_wait3A_272 = tpu.memref_squeeze %dma_wait3A_271 : memref<1x4x200xf32, #tpu.memory_space<vmem>> -> memref<4x200xf32, #tpu.memory_space<vmem>>
        %dma_wait3A_273 = arith.constant 0 : i32
        %dma_wait3A_274 = tpu.memref_slice %arg6[%add3A_255, %dma_wait3A_273] : memref<4096x200xf32, #tpu.memory_space<hbm>> -> memref<4x200xf32, #tpu.memory_space<hbm>>
        %dma_wait3A_275 = arith.constant 0 : i32
        %dma_wait3A_276 = tpu.memref_slice %arg6[%add3A_255, %dma_wait3A_275] : memref<4096x200xf32, #tpu.memory_space<hbm>> -> memref<4x200xf32, #tpu.memory_space<hbm>>
        %dma_wait3A_277 = arith.constant 0 : i32
        %dma_wait3A_278 = arith.constant 0 : i32
        %dma_wait3A_279 = tpu.memref_slice %arg10[%rem3A_138, %dma_wait3A_277, %dma_wait3A_278] : memref<2x4x200xf32, #tpu.memory_space<vmem>> -> memref<1x4x200xf32, #tpu.memory_space<vmem>>
        %dma_wait3A_280 = tpu.memref_squeeze %dma_wait3A_279 : memref<1x4x200xf32, #tpu.memory_space<vmem>> -> memref<4x200xf32, #tpu.memory_space<vmem>>
        tpu.wait_dma2 semaphore(%run_scoped3A_256 : memref<!tpu.dma_semaphore, #tpu.memory_space<semaphore_mem>>) src(%dma_wait3A_280 : memref<4x200xf32, #tpu.memory_space<vmem>>) dst(%dma_wait3A_276 : memref<4x200xf32, #tpu.memory_space<hbm>>)
        tpu.yield
      }) : () -> ()
    }
    %scan3A_136 = arith.constant 32 : i32
    return
  }
}

</mosaic_0001>

<sc_bundles>
// kernel: neural_mirt_sc.3.cloned.1.call-start
scs
__scs_entry_jumppad:
0x0: {  	(pc) =	sbr.rel $0x88, $3  }
0x1: {  	(tag) =	ssettag $0x0;
	lr =	simm.s32 $0x1  }
0x2: {  	[smem:$0x3F9D] =	sst lr;
	_ =	strace $0xD0000000  }
0x3: {  	_ = 	snop  }
0x4: {  	_ = 	snop  }
0x5: {  	_ = 	snop  }
0x6: {  	_ = 	snop  }
0x7: {  	_ = 	snop  }
__scs_overlays_trampoline_lowered:
0x8: {  	[smem:$0x3FAC] =	sst s0  }
0x9: {  	[smem:$0x3FAD] =	sst s1  }
0xa: {  	[smem:$0x3FAE] =	sst s2  }
0xb: {  	[smem:$0x3FAF] =	sst s3  }
0xc: {  	[smem:$0x3FB0] =	sst s4  }
0xd: {  	[smem:$0x3FB1] =	sst s5  }
0xe: {  	[smem:$0x3FB2] =	sst s6  }
0xf: {  	[smem:$0x3FB3] =	sst s7  }
0x10: {  	[smem:$0x3FB4] =	sst s8  }
0x11: {  	[smem:$0x3FB5] =	sst s9;
	s0 =	simm.s32 @!p0 $0x0  }
0x12: {  	s1 =	sld [smem:$0x3F9B];
	s0 =	simm.s32 @p0 $0x1  }
0x13: {  	[smem:$0x3FB6] =	sst s0;
	s0 =	simm.s32 @!p1 $0x0  }
0x14: {  	s2 =	sld [smem:$0x3F9A];
	s0 =	simm.s32 @p1 $0x1  }
0x15: {  	[smem:$0x3FB7] =	sst s0;
	s0 =	simm.s32 @!p2 $0x0  }
0x16: {  	s3 =	sld [smem:$0x3FDB];
	s0 =	simm.s32 @p2 $0x1  }
0x17: {  	s4 =	simm.s32 $0x1BF5;
	[smem:$0x3FB9] =	sst s0  }
0x18: {  	s0 =	sld [smem:$0x3F9C];
	_ =	swait.ge [sflag:s4], $0x0  }
0x19: {  	s7 =	sld [smem:$0x3F9D]  }
0x1a: {  	s8 =	sadd.s32 $0xFFFFE003, lr  }
0x1b: {  	s9 =	sadd.s32 $0xFFFFFEF7, lr;
	s5 =	simm.s32 $0xFFFFFFFF;
	p2 =	slt.u32 s8, $0xFFFFF086  }
0x1c: {  	p1 =	slt.u32 s9, $0xF7A;
	s5 =	simm.s32 @!p2 $0x0  }
0x1d: {  	s5 =	simm.s32 @p1 $0x1;
	p0 =	seq.s32 s7, s2  }
0x1e: {  	s7 =	smul.u32 @!p0 $0xF7A, s2;
	p2 =	seq.s32 @!p0 s5, $0x0  }
0x1f: {  	s9 =	smul.u32 $0xF7A, s1;
	s8 =	simm.s32 @!p0 $0x1BF5;
	p2 =	por !p2, p0  }
0x20: {  	[sflag:s8] =	ssyncset.s32 @!p0 $0xFFFFF086;
	s6 =	sadd.s32 @!p0 s3, s7;
	s7 =	simm.s32 @!p0 $0x108  }
0x21: {  	s3 =	sadd.s32 s3, s9;
	s6 =	sadd.s32 @!p0 $0x88, s6;
	s7 =	simm.s32 @p2 $0x1082  }
0x22: {  	[simem:s7], [sflag:s8] =	dma.local @!p0 [hbm:s6], $0xF7A  }
0x23: {  	s9 =	sor.u32 $0xD0000000, s2;
	s6 =	simm.s32 $0x108;
	_ =	swait.ge @!p0 [sflag:s8], $0x0  }
0x24: {  	s3 =	sadd.s32 $0x88, s3;
	s6 =	simm.s32 @!p1 $0x1082;
	[sflag:s4] =	ssyncset.s32 $0xFFFFF086  }
0x25: {  	[simem:s6], [sflag:s4] =	dma.local [hbm:s3], $0xF7A  }
0x26: {  	[smem:$0x3F9D] =	sst s1;
	(tag) =	ssettag s2;
	_ =	strace s9  }
0x27: {  	s1 =	sld [smem:$0x3FAD]  }
0x28: {  	s2 =	sld [smem:$0x3FAE]  }
0x29: {  	s4 =	sld [smem:$0x3FB0]  }
0x2a: {  	p0 =	seq.s32 s5, $0x0;
	s5 =	sld [smem:$0x3FB1]  }
0x2b: {  	s6 =	sld [smem:$0x3FB2]  }
0x2c: {  	s7 =	sld [smem:$0x3FB3]  }
0x2d: {  	s3 =	simm.s32 $0x108;
	s8 =	sld [smem:$0x3FB4]  }
0x2e: {  	s3 =	simm.s32 @!p0 $0x1082;
	s9 =	sld [smem:$0x3FB5]  }
0x2f: {  	lr =	sadd.s32 s0, s3;
	s0 =	sld [smem:$0x3FAC]  }
0x30: {  	s3 =	sld [smem:$0x3FAF]  }
0x31: {  	[smem:$0x3FB8] =	sst s10  }
0x32: {  	s10 =	sld [smem:$0x3FB6];
	_ =	sdelay $0x3  }
0x33: {  	p0 =	seq.s32 s10, $0x1;
	s10 =	sld [smem:$0x3FB8];
	_ =	sdelay $0x3  }
0x34: {  	[smem:$0x3FB8] =	sst s10  }
0x35: {  	s10 =	sld [smem:$0x3FB7];
	_ =	sdelay $0x3  }
0x36: {  	p1 =	seq.s32 s10, $0x1;
	s10 =	sld [smem:$0x3FB8];
	_ =	sdelay $0x3  }
0x37: {  	[smem:$0x3FB8] =	sst s10  }
0x38: {  	s10 =	sld [smem:$0x3FB9]  }
0x39: {  	_ = 	snop;
	(pc) =	sbr.ind lr, $3  }
0x3a: {  	_ = 	snop  }
0x3b: {  	_ = 	snop  }
0x3c: {  	p2 =	seq.s32 s10, $0x1;
	s10 =	sld [smem:$0x3FB8]  }
0x3d: {  	_ =	shalt  }
0x3e: {  	_ =	shalt  }
0x3f: {  	_ =	shalt  }
0x40: {  	_ =	shalt  }
0x41: {  	_ =	shalt  }
0x42: {  	_ =	shalt  }
0x43: {  	_ =	shalt  }
0x44: {  	_ =	shalt  }
0x45: {  	_ =	shalt  }
0x46: {  	_ =	shalt  }
0x47: {  	_ =	shalt  }
0x48: {  	_ =	shalt  }
0x49: {  	_ =	shalt  }
0x4a: {  	_ =	shalt  }
0x4b: {  	_ =	shalt  }
0x4c: {  	_ =	shalt  }
0x4d: {  	_ =	shalt  }
0x4e: {  	_ =	shalt  }
0x4f: {  	_ =	shalt  }
0x50: {  	_ =	shalt  }
0x51: {  	_ =	shalt  }
0x52: {  	_ =	shalt  }
0x53: {  	_ =	shalt  }
0x54: {  	_ =	shalt  }
0x55: {  	_ =	shalt  }
0x56: {  	_ =	shalt  }
0x57: {  	_ =	shalt  }
0x58: {  	_ =	shalt  }
0x59: {  	_ =	shalt  }
0x5a: {  	_ =	shalt  }
0x5b: {  	_ =	shalt  }
0x5c: {  	_ =	shalt  }
0x5d: {  	_ =	shalt  }
0x5e: {  	_ =	shalt  }
0x5f: {  	_ =	shalt  }
0x60: {  	_ =	shalt  }
0x61: {  	_ =	shalt  }
0x62: {  	_ =	shalt  }
0x63: {  	_ =	shalt  }
0x64: {  	_ =	shalt  }
0x65: {  	_ =	shalt  }
0x66: {  	_ =	shalt  }
0x67: {  	_ =	shalt  }
0x68: {  	_ =	shalt  }
0x69: {  	_ =	shalt  }
0x6a: {  	_ =	shalt  }
0x6b: {  	_ =	shalt  }
0x6c: {  	_ =	shalt  }
0x6d: {  	_ =	shalt  }
0x6e: {  	_ =	shalt  }
0x6f: {  	_ =	shalt  }
0x70: {  	_ =	shalt  }
0x71: {  	_ =	shalt  }
0x72: {  	_ =	shalt  }
0x73: {  	_ =	shalt  }
0x74: {  	_ =	shalt  }
0x75: {  	_ =	shalt  }
0x76: {  	_ =	shalt  }
0x77: {  	_ =	shalt  }
0x78: {  	_ =	shalt  }
0x79: {  	_ =	shalt  }
0x7a: {  	_ =	shalt  }
0x7b: {  	_ =	shalt  }
0x7c: {  	_ =	shalt  }
0x7d: {  	_ =	shalt  }
0x7e: {  	_ =	shalt  }
0x7f: {  	_ =	shalt  }
0x80: {  	_ =	shalt  }
0x81: {  	_ =	shalt  }
0x82: {  	_ =	shalt  }
0x83: {  	_ =	shalt  }
0x84: {  	_ =	shalt  }
0x85: {  	_ =	shalt  }
0x86: {  	_ =	shalt  }
0x87: {  	_ =	shalt  }
.Lfunc_end0:
.L_simem_size_0:
called_computation_lowered:
.L_overlay_start_0:
0x88: {  	s2 =	sld [smem:$0x3FD9]  }
0x89: {  	s3 =	sld [smem:$0x3FFE];
	_ =	sdelay $0x1  }
0x8a: {  	s1 =	srdreg.scid  }
0x8b: {  	s0 =	sand.u32 $0x1, s1  }
0x8c: {  	s17 =	sshll.u32 s0, $0xA;
	s2 =	sadd.s32 s3, s2  }
0x8d: {  	s2 =	sadd.s32 s2, s17  }
0x8e: {  	[smem:$0x3FC4] =	sst s2  }
0x8f: {  	_ = 	snop  }
0x90: {  	s2 =	sld [smem:$0x3FD0];
	(tm) =	ssettm $0x1  }
0x91: {  	s18 =	sld [smem:$0x3FFB];
	_ =	sdelay $0x3  }
0x92: {  	_ =	strace s18  }
0x93: {  	s3 =	sld [smem:$0x3FFC];
	_ =	sdelay $0x3  }
0x94: {  	_ =	strace s3  }
0x95: {  	s3 =	sld [smem:$0x3FFD];
	_ =	sdelay $0x3  }
0x96: {  	_ =	strace s3  }
0x97: {  	_ =	strace $0x8FFFFFFF  }
0x98: {  	s19 =	sld [smem:$0x3FDB];
	_ =	sdelay $0x1  }
0x99: {  	s4 =	simm.s32 $_scs_section_size  }
0x9a: {  	s5 =	simm.s32 $_size__tile_overlayer_lowered;
	s6 =	simm.s32 $_tile_overlayer_lowered  }
0x9b: {  	s22 =	simm.s32 $0x1BFF;
	s21 =	sshll.u32 s6, $0x1;
	s3 =	sadd.s32 s4, s19  }
0x9c: {  	s7 =	simm.s32 $0x0;
	s20 =	sshll.u32 s5, $0x1;
	s5 =	sadd.s32 s21, s3  }
0x9d: {  	[timem:s7], [sflag:s22] =	dma.local [hbm:s5], s20  }
0x9e: {  	_ =	swait.ge [sflag:s22], s20  }
0x9f: {  	s4 =	ssub.s32 $0x0, s20;
	[sflag:s22] =	ssyncset.done $0x0  }
0xa0: {  	[sflag:s22] =	ssyncadd.s32 s4;
	_ =	sdelay $0x1  }
0xa1: {  	s23 =	simm.s32 $0x1B8B  }
0xa2: {  	_ =	swait.ge [sflag:s23], $0x1  }
0xa3: {  	[sflag:s23] =	ssyncset.done $0x0  }
0xa4: {  	s25 =	simm.s32 $0x1B8E;
	s24 =	sld [smem:$0x3FFE];
	[sflag:s23] =	ssyncadd.s32 $0xFFFFFFFF  }
0xa5: {  	s26 =	simm.s32 $execute0_lowered;
	[smem:$0x3FD2] =	sst s25  }
0xa6: {  	s5 =	sshll.u32 s26, $0x1;
	_ =	strace $0x80000046;
	[dreg:$0x1] =	wrdreg $0xFFFFFFFF  }
0xa7: {  	s28 =	simm.s32 $_size_execute0_lowered;
	s3 =	sadd.s32 s3, s5;
	[dreg:$0x0] =	wrdreg $0x0  }
0xa8: {  	s5 =	sshll.u32 s28, $0x1;
	[dreg:$0x2] =	wrdreg s3  }
0xa9: {  	[dreg:$0x3] =	wrdreg s5  }
0xaa: {  	[dreg:$0x4] =	wrdreg $0xC0  }
0xab: {  	_ =	task [dreg:s7], $0x5FFFF  }
0xac: {  	[dreg:$0x1] =	wrdreg $0xFFFFFFFF  }
0xad: {  	[dreg:$0x0] =	wrdreg $0x60  }
0xae: {  	[dreg:$0x2] =	wrdreg s24  }
0xaf: {  	[dreg:$0x3] =	wrdreg s2  }
0xb0: {  	[dreg:$0x4] =	wrdreg $0x9  }
0xb1: {  	_ =	task.clear_ibuf [dreg:s7], $0x5FFFF;
	_ =	strace $0x90000046  }
0xb2: {  	s29 =	simm.s32 $0x9;
	_ =	strace $0x80000048  }
0xb3: {  	_ =	swait.ge [sflag:s29], $0x1  }
0xb4: {  	[sflag:s29] =	ssyncadd.s32 $0xFFFFFFFF  }
0xb5: {  	_ =	strace $0x90000048  }
0xb6: {  	_ =	sfence  }
0xb7: {  	s30 =	sld [smem:$0x0];
	_ =	sdelay $0x2  }
0xb8: {  	s31 =	sshll.u32 s1, $0xD;
	s1 =	sshrl.u32 s1, $0x2  }
0xb9: {  	s3 =	sand.u32 $0x4000, s31;
	s1 =	sadd.s32 s1, s30  }
0xba: {  	s0 =	sor.u32 s3, s0;
	s1 =	sshll.u32 s1, $0x11  }
0xbb: {  	s0 =	sor.u32 s1, s0  }
0xbc: {  	s0 =	sadd.s32 $0x8F2B, s0  }
0xbd: {  	[sflag:s0] =	ssyncadd.remote.s32 $0x1  }
0xbe: {  	_ =	sfence.sel $0xFFFF  }
0xbf: {  	[dreg:$0x0] =	wrdreg $0xFFFFFFFF;
	(pc) =	sbr.abs _section_cstart, $3  }
0xc0: {  	[dreg:$0x1] =	wrdreg $0xFFFFFFFF  }
0xc1: {  	_ =	task.clear_ibuf [dreg:s7], $0x2FFFF;
	_ =	strace $0x9FFFFFFF  }
0xc2: {  	(tm) =	ssettm $0x7FFFFFFF  }
0xc3: {  	_ =	shalt  }
tec
execute0_lowered:
.L_overlay_start_1:
0x0: {  	(tag) =	ssettag $0x1  }
0x1: {  	s0 =	srdreg.scid;
	s1 =	rddreg [dreg:$0x0]  }
0x2: {  	s3 =	stileid.u32;
	s2 =	rddreg [dreg:$0x1];
	s12 =	simm.s32 $0x5  }
0x3: {  	s13 =	simm.s32 $0xC8;
	s15 =	simm.s32 $0x6A40;
	s16 =	simm.s32 $0x12C0  }
0x4: {  	s17 =	simm.s32 $0x6B08;
	s18 =	simm.s32 $0x190;
	s19 =	simm.s32 $0x1F40  }
0x5: {  	s20 =	simm.s32 $0x6BD0;
	s21 =	simm.s32 $0x258;
	s22 =	simm.s32 $0x2BC0  }
0x6: {  	s23 =	simm.s32 $0x6C98;
	s24 =	simm.s32 $0x0;
	s0 =	sand.u32 $0x1, s0  }
0x7: {  	s4 =	sshll.u32 s3, $0x8;
	s3 =	simm.s32 $0x0;
	s6 =	sadd.s32 $0x2600, s1  }
0x8: {  	vm0 =	vmmov $0x1;
	vm1 =	vmmov $0x3;
	vm2 =	vmmov $0x7;
	s7 =	sadd.s32 $0x21000, s1;
	s5 =	sshll.u32 s0, $0x7;
	[smem:$0x7FF] =	sst s3  }
0x9: {  	vm3 =	vmmov $0xf;
	vm4 =	vmmov $0x1f;
	vm5 =	vmmov $0x3f;
	s0 =	ssub.s32 $0x2, s0;
	s4 =	sor.u32 s5, s4;
	_ =	strace $0x80000047  }
0xa: {  	vm6 =	vmmov $0x7f;
	vm7 =	vmmov $0xff;
	vm8 =	vmmov $0x1ff;
	s31 =	sshrl.u32 s0, $0x1;
	s5 =	sshll.u32 s4, $0x1;
	s9 =	smul.u32 $0x19, s4  }
0xb: {  	vm9 =	vmmov $0x3ff;
	vm10 =	vmmov $0x7ff;
	vm11 =	vmmov $0xfff;
	s0 =	ssub.s32 s0, s31;
	s8 =	sadd.s32 s5, s1;
	s5 =	sadd.s32 $0xF42A00, s1  }
0xc: {  	vm12 =	vmmov $0x1fff;
	vm13 =	vmmov $0x3fff;
	vm14 =	vmmov $0x7fff;
	s10 =	smax.u32 s0, $0x1;
	s8 =	sadd.s32 $0x600, s8;
	s9 =	sadd.s32 s2, s9  }
.LBB2_1:
0xd: {  	s0 =	simm.s32 $0x76C0  }
0xe: {  	[tilespmem:s0], [sflag:$0x5] =	stream.linear.gather [hbm4b:s8+s3], $0x800, $0x38;
	[tilespmem:$0x7EC0] =	vst v63  }
0xf: {  	_ =	swait.ge [sflag:s12], $0x800  }
0x10: {  	[sflag:s12] =	ssyncset.done $0x0  }
0x11: {  	[sflag:s12] =	ssyncadd.s32 $0xFFFFF800  }
0x12: {  	[tilespmem:s3], [sflag:$0x5] =	stream.linear.gather [hbm4b:s9+s3], $0x320, $0x38;
	[tilespmem:$0x7EC0] =	vst v63  }
0x13: {  	_ =	swait.ge [sflag:s12], $0x320  }
0x14: {  	[sflag:s12] =	ssyncset.done $0x0  }
0x15: {  	s31 =	simm.s32 $0x640;
	[sflag:s12] =	ssyncadd.s32 $0xFFFFFCE0  }
0x16: {  	[tilespmem:s31], [sflag:$0x1] =	stream.indirect.gather [hbm4b:s5+s13], $0x10, s3, s13, $0xb8;
	[tilespmem:$0x7EC0] =	vst v63  }
0x17: {  	_ = 	snop  }
0x18: {  	[tilespmem:s15], [sflag:$0x3] =	stream.indirect.gather [hbm4b:s6+s13], $0x1, s3, s13, $0xb8;
	[tilespmem:$0x7EC0] =	vst v63  }
0x19: {  	_ = 	snop  }
0x1a: {  	[tilespmem:s16], [sflag:$0x1] =	stream.indirect.gather [hbm4b:s5+s13], $0x10, s13, s13, $0xb8;
	[tilespmem:$0x7EC0] =	vst v63  }
0x1b: {  	_ = 	snop  }
0x1c: {  	[tilespmem:s17], [sflag:$0x3] =	stream.indirect.gather [hbm4b:s6+s13], $0x1, s13, s13, $0xb8;
	[tilespmem:$0x7EC0] =	vst v63  }
0x1d: {  	_ = 	snop  }
0x1e: {  	[tilespmem:s19], [sflag:$0x1] =	stream.indirect.gather [hbm4b:s5+s13], $0x10, s18, s13, $0xb8;
	[tilespmem:$0x7EC0] =	vst v63  }
0x1f: {  	_ = 	snop  }
0x20: {  	[tilespmem:s20], [sflag:$0x3] =	stream.indirect.gather [hbm4b:s6+s13], $0x1, s18, s13, $0xb8;
	[tilespmem:$0x7EC0] =	vst v63  }
0x21: {  	_ = 	snop  }
0x22: {  	[tilespmem:s22], [sflag:$0x1] =	stream.indirect.gather [hbm4b:s5+s13], $0x10, s21, s13, $0xb8;
	[tilespmem:$0x7EC0] =	vst v63  }
0x23: {  	s25 =	simm.s32 $0x0  }
0x24: {  	[tilespmem:s23], [sflag:$0x3] =	stream.indirect.gather [hbm4b:s6+s13], $0x1, s21, s13, $0xb8;
	[tilespmem:$0x7EC0] =	vst v63  }
.LBB2_2:
0x25: {  	s26 =	sand.u32 $0x1, s25  }
0x26: {  	s0 =	sadd.s32 $0x1, s26  }
0x27: {  	_ =	swait.ge [sflag:s0], $0xC80  }
0x28: {  	[sflag:s0] =	ssyncset.done $0x0  }
0x29: {  	s1 =	sadd.s32 $0x3, s26;
	[sflag:s0] =	ssyncadd.s32 $0xFFFFF380  }
0x2a: {  	_ =	swait.ge [sflag:s1], $0xC8  }
0x2b: {  	[sflag:s1] =	ssyncset.done $0x0  }
0x2c: {  	[sflag:s1] =	ssyncadd.s32 $0xFFFFFF38  }
0x2d: {  	_ =	swait.ge [sflag:s0], $0xC80  }
0x2e: {  	[sflag:s0] =	ssyncset.done $0x0  }
0x2f: {  	[sflag:s0] =	ssyncadd.s32 $0xFFFFF380  }
0x30: {  	_ =	swait.ge [sflag:s1], $0xC8  }
0x31: {  	[sflag:s1] =	ssyncset.done $0x0  }
0x32: {  	[sflag:s1] =	ssyncadd.s32 $0xFFFFFF38  }
0x33: {  	_ =	swait.ge [sflag:s0], $0xC80  }
0x34: {  	[sflag:s0] =	ssyncset.done $0x0  }
0x35: {  	[sflag:s0] =	ssyncadd.s32 $0xFFFFF380  }
0x36: {  	_ =	swait.ge [sflag:s1], $0xC8  }
0x37: {  	[sflag:s1] =	ssyncset.done $0x0  }
0x38: {  	[sflag:s1] =	ssyncadd.s32 $0xFFFFFF38  }
0x39: {  	s28 =	sadd.s32 $0x1, s25;
	p0 =	seq.s32 s25, $0x1F;
	_ =	swait.ge [sflag:s0], $0xC80  }
0x3a: {  	s29 =	sshll.u32 @!p0 s28, $0x2;
	[sflag:s0] =	ssyncset.done $0x0  }
0x3b: {  	[sflag:s0] =	ssyncadd.s32 $0xFFFFF380;
	s0 =	sadd.s32 @!p0 s4, s29  }
0x3c: {  	s29 =	sand.u32 @!p0 $0x1, s28;
	_ =	swait.ge [sflag:s1], $0xC8;
	s0 =	smul.u32 @!p0 $0x19, s0  }
0x3d: {  	s30 =	smul.u32 @!p0 $0x320, s29;
	[sflag:s1] =	ssyncset.done $0x0  }
0x3e: {  	[sflag:s1] =	ssyncadd.s32 $0xFFFFFF38;
	s0 =	sadd.s32 @!p0 s2, s0;
	s1 =	simm.s32 @!p0 $0x0  }
0x3f: {  	[tilespmem:s30], [sflag:$0x5] =	stream.linear.gather @!p0 [hbm4b:s0+s1], $0x320, $0x38;
	[tilespmem:$0x7EC0] =	vst v63  }
0x40: {  	s0 =	simm.s32 @!p0 $0x5  }
0x41: {  	s1 =	smul.u32 @!p0 $0xC800, s29;
	_ =	swait.ge @!p0 [sflag:s0], $0x320  }
0x42: {  	[sflag:s0] =	ssyncset.done @!p0 $0x0  }
0x43: {  	[sflag:s0] =	ssyncadd.s32 @!p0 $0xFFFFFCE0;
	s0 =	sshrl.u32 @!p0 s1, $0x2  }
0x44: {  	s11 =	simm.s32 @!p0 $0xC8;
	s31 =	sadd.s32 @!p0 $0x1, s29;
	s1 =	sadd.s32 @!p0 $0x640, s0  }
0x45: {  	[tilespmem:s1], [sflag:s31] =	stream.indirect.gather @!p0 [hbm4b:s5+s11], $0x10, s30, s11, $0xb8;
	[tilespmem:$0x7EC0] =	vst v63  }
0x46: {  	s29 =	sadd.s32 @!p0 $0x3, s29;
	s1 =	sadd.s32 @!p0 $0x6A40, s30  }
0x47: {  	[tilespmem:s1], [sflag:s29] =	stream.indirect.gather @!p0 [hbm4b:s6+s11], $0x1, s30, s11, $0xb8;
	[tilespmem:$0x7EC0] =	vst v63  }
0x48: {  	s14 =	sadd.s32 @!p0 $0xC8, s30;
	s1 =	sadd.s32 @!p0 $0x12C0, s0  }
0x49: {  	[tilespmem:s1], [sflag:s31] =	stream.indirect.gather @!p0 [hbm4b:s5+s11], $0x10, s14, s11, $0xb8;
	[tilespmem:$0x7EC0] =	vst v63  }
0x4a: {  	s1 =	sadd.s32 @!p0 $0x6B08, s30  }
0x4b: {  	[tilespmem:s1], [sflag:s29] =	stream.indirect.gather @!p0 [hbm4b:s6+s11], $0x1, s14, s11, $0xb8;
	[tilespmem:$0x7EC0] =	vst v63  }
0x4c: {  	s1 =	sadd.s32 @!p0 $0x1F40, s0;
	s14 =	sadd.s32 @!p0 $0x190, s30  }
0x4d: {  	[tilespmem:s1], [sflag:s31] =	stream.indirect.gather @!p0 [hbm4b:s5+s11], $0x10, s14, s11, $0xb8;
	[tilespmem:$0x7EC0] =	vst v63  }
0x4e: {  	s1 =	sadd.s32 @!p0 $0x6BD0, s30  }
0x4f: {  	[tilespmem:s1], [sflag:s29] =	stream.indirect.gather @!p0 [hbm4b:s6+s11], $0x1, s14, s11, $0xb8;
	[tilespmem:$0x7EC0] =	vst v63  }
0x50: {  	s0 =	sadd.s32 @!p0 $0x2BC0, s0;
	s1 =	sadd.s32 @!p0 $0x258, s30  }
0x51: {  	[tilespmem:s0], [sflag:s31] =	stream.indirect.gather @!p0 [hbm4b:s5+s11], $0x10, s1, s11, $0xb8;
	[tilespmem:$0x7EC0] =	vst v63  }
0x52: {  	s0 =	sadd.s32 @!p0 $0x6C98, s30  }
0x53: {  	[tilespmem:s0], [sflag:s29] =	stream.indirect.gather @!p0 [hbm4b:s6+s11], $0x1, s1, s11, $0xb8;
	[tilespmem:$0x7EC0] =	vst v63  }
0x54: {  	s14 =	smul.u32 $0xC800, s26;
	s11 =	sshll.u32 s25, $0x6  }
0x55: {  	s0 =	sand.u32 $0x3FFFFFC0, s11  }
0x56: {  	s1 =	sshrl.u32 s14, $0x2;
	s0 =	sadd.s32 $0x76C0, s0  }
0x57: {  	s30 =	smul.u32 $0x320, s26;
	s31 =	simm.s32 $0x0;
	s29 =	sadd.s32 $0x640, s1;
	v0 =	vmov s0  }
.LBB2_3:
0x58: {  	s0 =	smul.u32 $0x3200, s31;
	_ =	sdelay $0x1  }
0x59: {  	s0 =	sshra.s32 s0, $0x2  }
0x5a: {  	s1 =	smul.u32 $0xC8, s31;
	s0 =	sadd.s32 s0, s29  }
0x5b: {  	s11 =	sshll.u32 s31, $0x4;
	v2 =	vmov s0  }
0x5c: {  	s11 =	sand.u32 $0x3FFFFFF0, s11;
	s1 =	sadd.s32 s30, s1  }
0x5d: {  	v1 =	vld.idx.msk [tilespmem:v0+s11+$0x0 ss:$0x1], $0xffff;
	v3 =	vmov s1;
	s1 =	simm.s32 $0x0  }
.LBB2_4:
0x5e: {  	s0 =	smin.u32 s1, $0xB8  }
0x5f: {  	s11 =	sshll.u32 s0, $0x4  }
0x60: {  	v4 =	vld.idx.msk [tilespmem:v2+s11+$0x0 ss:$0x1], $0xffff  }
0x61: {  	v5 =	vld.idx.msk [tilespmem:v2+s11+$0x10 ss:$0x1], $0xffff  }
0x62: {  	v6 =	vld.idx.msk [tilespmem:v2+s11+$0x20 ss:$0x1], $0xffff  }
0x63: {  	v7 =	vld.idx.msk [tilespmem:v2+s11+$0x30 ss:$0x1], $0xffff  }
0x64: {  	v8 =	vld.idx.msk [tilespmem:v2+s11+$0x40 ss:$0x1], $0xffff  }
0x65: {  	v9 =	vld.idx.msk [tilespmem:v2+s11+$0x50 ss:$0x1], $0xffff;
	v4 =	vand.u32 $0x7FFFFFFF, v4  }
0x66: {  	v10 =	vld.idx.msk [tilespmem:v2+s11+$0x60 ss:$0x1], $0xffff;
	v5 =	vand.u32 $0x7FFFFFFF, v5;
	v4 =	vmul.f32 v4, v1  }
0x67: {  	v11 =	vld.idx.msk [tilespmem:v2+s11+$0x70 ss:$0x1], $0xffff;
	v6 =	vand.u32 $0x7FFFFFFF, v6;
	v5 =	vmul.f32 v5, v1  }
0x68: {  	v21 =	vld.idx.msk [tilespmem:v2+s11+$0x80 ss:$0x1], $0xffff;
	v20 =	vand.u32 $0x7FFFFFFF, v7;
	(xrf2) =	vadd.scan.msk.f32 $0xffff, v4;
	v4 =	vmul.f32 v6, v1  }
0x69: {  	v23 =	vld.idx.msk [tilespmem:v2+s11+$0x90 ss:$0x1], $0xffff;
	v22 =	vand.u32 $0x7FFFFFFF, v8;
	(xrf2) =	vadd.scan.msk.f32 $0xffff, v5;
	v5 =	vmul.f32 v20, v1  }
0x6a: {  	v25 =	vld.idx.msk [tilespmem:v2+s11+$0xA0 ss:$0x1], $0xffff;
	v24 =	vand.u32 $0x7FFFFFFF, v9;
	(xrf2) =	vadd.scan.msk.f32 $0xffff, v4;
	v4 =	vmul.f32 v22, v1  }
0x6b: {  	v27 =	vld.idx.msk [tilespmem:v2+s11+$0xB0 ss:$0x1], $0xffff;
	v26 =	vand.u32 $0x7FFFFFFF, v10;
	(xrf2) =	vadd.scan.msk.f32 $0xffff, v5;
	v5 =	vmul.f32 v24, v1  }
0x6c: {  	v29 =	vld.idx.msk [tilespmem:v2+s11+$0xC0 ss:$0x1], $0xffff;
	v28 =	vand.u32 $0x7FFFFFFF, v11;
	(xrf2) =	vadd.scan.msk.f32 $0xffff, v4;
	v4 =	vmul.f32 v26, v1  }
0x6d: {  	v31 =	vld.idx.msk [tilespmem:v2+s11+$0xD0 ss:$0x1], $0xffff;
	v30 =	vand.u32 $0x7FFFFFFF, v21;
	(xrf2) =	vadd.scan.msk.f32 $0xffff, v5;
	v5 =	vmul.f32 v28, v1  }
0x6e: {  	v33 =	vld.idx.msk [tilespmem:v2+s11+$0xE0 ss:$0x1], $0xffff;
	v32 =	vand.u32 $0x7FFFFFFF, v23;
	(xrf2) =	vadd.scan.msk.f32 $0xffff, v4;
	v4 =	vmul.f32 v30, v1  }
0x6f: {  	v34 =	vand.u32 $0x7FFFFFFF, v25;
	(xrf2) =	vadd.scan.msk.f32 $0xffff, v5;
	v5 =	vmul.f32 v32, v1  }
0x70: {  	v35 =	vand.u32 $0x7FFFFFFF, v27;
	(xrf2) =	vadd.scan.msk.f32 $0xffff, v4;
	v4 =	vmul.f32 v34, v1  }
0x71: {  	v37 =	vld.idx.msk [tilespmem:v2+s11+$0xF0 ss:$0x1], $0xffff;
	v36 =	vand.u32 $0x7FFFFFFF, v29;
	(xrf2) =	vadd.scan.msk.f32 $0xffff, v5;
	v5 =	vmul.f32 v35, v1  }
0x72: {  	v39 =	vand.u32 $0x7FFFFFFF, v31;
	v38, _, _ =	vpop (xrf2);
	(xrf2) =	vadd.scan.msk.f32 $0xffff, v4;
	v4 =	vmul.f32 v36, v1  }
0x73: {  	v42 =	vand.u32 $0x7FFFFFFF, v33;
	v41, _, _ =	vpop (xrf2);
	(xrf2) =	vadd.scan.msk.f32 $0xffff, v5;
	v5 =	vmul.f32 v39, v1  }
0x74: {  	v44, _, _ =	vpop (xrf2);
	(xrf2) =	vadd.scan.msk.f32 $0xffff, v4;
	v4 =	vmul.f32 v42, v1  }
0x75: {  	v40 =	vbroadcast v38, $0xF;
	v43 =	vbroadcast v41, $0xF;
	v45, _, _ =	vpop (xrf2);
	(xrf2) =	vadd.scan.msk.f32 $0xffff, v5  }
0x76: {  	v5 =	vbroadcast v44, $0xF;
	v46, _, _ =	vpop (xrf2);
	(xrf2) =	vadd.scan.msk.f32 $0xffff, v4;
	v4 =	vand.u32 $0x7FFFFFFF, v37  }
0x77: {  	v7 =	vsel vm0, v40, v43;
	v6 =	vbroadcast v45, $0xF;
	v4 =	vmul.f32 v4, v1  }
0x78: {  	v47, _, _ =	vpop (xrf2);
	v5 =	vsel vm1, v7, v5;
	v48 =	vbroadcast v46, $0xF  }
0x79: {  	v49, _, _ =	vpop (xrf2);
	v5 =	vsel vm2, v5, v6;
	v50 =	vbroadcast v47, $0xF  }
0x7a: {  	v5 =	vsel vm3, v5, v48;
	v51 =	vbroadcast v49, $0xF;
	v52, _, _ =	vpop (xrf2)  }
0x7b: {  	(xrf2) =	vadd.scan.msk.f32 $0xffff, v4;
	v5 =	vsel vm4, v5, v50;
	v53 =	vbroadcast v52, $0xF;
	v4, _, _ =	vpop (xrf2)  }
0x7c: {  	v5 =	vsel vm5, v5, v51;
	v54, _, _ =	vpop (xrf2);
	v4 =	vbroadcast v4, $0xF  }
0x7d: {  	v5 =	vsel vm6, v5, v53;
	v55, _, _ =	vpop (xrf2);
	v56 =	vbroadcast v54, $0xF  }
0x7e: {  	v57, _, _ =	vpop (xrf2);
	v4 =	vsel vm7, v5, v4;
	v5 =	vbroadcast v55, $0xF  }
0x7f: {  	v58, _, _ =	vpop (xrf2);
	v4 =	vsel vm8, v4, v56;
	v59 =	vbroadcast v57, $0xF  }
0x80: {  	v60, _, _ =	vpop (xrf2);
	v4 =	vsel vm9, v4, v5;
	v5 =	vbroadcast v58, $0xF  }
0x81: {  	v61, _, _ =	vpop (xrf2);
	v4 =	vsel vm10, v4, v59  }
0x82: {  	v4 =	vsel vm11, v4, v5;
	v5 =	vbroadcast v61, $0xF  }
0x83: {  	v63 =	vld.idx.msk [tilespmem:v3+s0+$0x6A40 ss:$0x1], $0xffff;
	v62 =	vbroadcast v60, $0xF;
	_ =	sdelay $0x1  }
0x84: {  	v4 =	vsel vm12, v4, v62  }
0x85: {  	v4 =	vsel vm13, v4, v5;
	v5, _, _ =	vpop (xrf2)  }
0x86: {  	v4 =	vsel vm14, v4, v5  }
0x87: {  	v4 =	vsub.f32 v63, v4;
	_ =	sdelay $0x1  }
0x88: {  	v4 =	vadd.f32 $0.0e+00, v4;
	_ =	sdelay $0x1  }
0x89: {  	v4 =	vmul.f32 $1.442695020e+00, v4;
	_ =	sdelay $0x1  }
0x8a: {  	(erf) = vpow2.f32 v4;
	_ =	sdelay $0x8  }
0x8b: {  	v4 =	vpop (erf)  }
0x8c: {  	v4 =	vadd.f32 $1.000000000e+00, v4;
	_ =	sdelay $0x1  }
0x8d: {  	(erf) = vrcp.f32 v4;
	_ =	sdelay $0x4  }
0x8e: {  	p0 =	sne.s32 s1, $0xC0  }
.Ltmp0:
0x8f: {  	_ = 	snop;
	(pc) =	sbr.rel @p0 .LBB2_4-.Ltmp0, $3  }
0x90: {  	_ =	sdelay $0x1  }
0x91: {  	v4 =	vpop (erf)  }
0x92: {  	s1 =	sadd.s32 $0x10, s1;
	[tilespmem:v3+s0+$0x7080 ss:$0x1] =	vst.idx.msk $0xffff, v4  }
0x93: {  	s31 =	sadd.s32 $0x1, s31  }
0x94: {  	p0 =	sne.s32 s31, $0x4  }
.Ltmp1:
0x95: {  	_ = 	snop;
	(pc) =	sbr.rel @p0 .LBB2_3-.Ltmp1, $1  }
0x96: {  	_ =	sdelay $0x3  }
0x97: {  	s0 =	sshll.u32 s25, $0x2  }
0x98: {  	s1 =	smul.u32 $0xC80, s26;
	s0 =	sadd.s32 s4, s0  }
0x99: {  	s0 =	smul.u32 $0x19, s0  }
0x9a: {  	p0 =	sne.s32 s28, $0x20;
	s1 =	sshrl.u32 s1, $0x2  }
.Ltmp2:
0x9b: {  	s1 =	sadd.s32 $0x7080, s1;
	s0 =	sadd.s32 s7, s0;
	(pc) =	sbr.rel @p0 .LBB2_2-.Ltmp2, $4  }
0x9c: {  	[hbm4b:s0+s3] =	stream.linear.scatter [tilespmem:s1], [sflag:$0x5], $0x320, $0x38;
	[tilespmem:$0x7EC0] =	vst v63  }
0x9d: {  	_ =	swait.ge [sflag:s12], $0x320  }
0x9e: {  	[sflag:s12] =	ssyncset.done $0x0  }
0x9f: {  	s25 =	smov.u32 s28;
	[sflag:s12] =	ssyncadd.s32 $0xFFFFFCE0  }
0xa0: {  	s24 =	sadd.s32 $0x1, s24  }
0xa1: {  	p0 =	sne.s32 s24, s10  }
.Ltmp3:
0xa2: {  	_ = 	snop;
	(pc) =	sbr.rel @p0 .LBB2_1-.Ltmp3, $1  }
0xa3: {  	_ =	sdelay $0x3  }
0xa4: {  	_ =	sfence.sel $0x180000  }
0xa5: {  	[bflag:$0x0] =	sbarrier.arrive $0xFFFF  }
0xa6: {  	_ =	strace $0x90000047  }
0xa7: {  	s0 =	stileid.u32;
	[bflag:$0x2] =	sbarrier.arrive $0xFFFF  }
0xa8: {  	p0 =	sne.s32 s0, $0x0;
	s0 =	rddreg [dreg:$0x2]  }
0xa9: {  	s0 =	sadd.s32 @!p0 $0x100000, s0  }
0xaa: {  	[sflag:s0] =	ssyncadd.tile.s32 @!p0 $0x1;
	_ =	shalt  }
.Lfunc_end2:
_tile_overlayer_lowered:
.L_overlay_start_2:
0xab: {  	(tag) =	ssettag $0x2  }
0xac: {  	s0 =	rddreg [dreg:$0x0];
	s2 =	stileid.u32  }
0xad: {  	s1 =	rddreg [dreg:$0x1];
	p0 =	sne.s32 s2, $0x0  }
0xae: {  	s3 =	rddreg [dreg:$0x2];
	[bflag:$0x3] =	sbarrier.arrive $0xFFFF;
	s2 =	simm.s32 @!p0 $0x1C05  }
0xaf: {  	[timem:s3], [sflag:s2] =	dma.local @!p0 [hbm:s0], s1  }
0xb0: {  	s0 =	simm.s32 @!p0 $0x5  }
0xb1: {  	_ =	swait.ge @!p0 [sflag:s0], s1  }
0xb2: {  	s1 =	ssub.s32 @!p0 $0x0, s1;
	[sflag:s0] =	ssyncset.done @!p0 $0x0  }
0xb3: {  	[sflag:s0] =	ssyncadd.s32 @!p0 s1  }
0xb4: {  	[bflag:$0x3] =	sbarrier.arrive $0xFFFF  }
0xb5: {  	_ =	shalt  }

</sc_bundles>
